<compile_context>
chip_gen: v7x
topology: tpu7x:2x2x1
jax: 0.10.2.dev20260603
libtpu: 0.0.44.dev20260713+nightly
codegen_flags: <defaults>
</compile_context>

<pallas_src>
import functools

import jax
import jax.numpy as jnp
from jax import lax
from jax.experimental import pallas as pl
from jax.experimental.pallas import tpu as pltpu
from jax.experimental.pallas import tpu_sc as plsc

N = 10000
E = 320000
T = 16
F3 = 32
NS = 16
NPAD = 10240
STRIPE = NPAD // NS
EW = E // NS
C = 80
NCH = EW // C

M2 = 2 * NPAD
HI = lax.Precision.HIGHEST
BM = 2048


def _sc_mesh():
    return plsc.VectorSubcoreMesh(core_axis_name="c", subcore_axis_name="s",
                                  num_cores=2, num_subcores=NS)



@functools.partial(
    pl.kernel,
    out_type=jax.ShapeDtypeStruct((M2, 1), jnp.float32),
    mesh=_sc_mesh(),
    scratch_types=[
        pltpu.VMEM((C,), jnp.int32),
        pltpu.VMEM((C, 1), jnp.float32),
        pltpu.VMEM_SHARED((NPAD, 1), jnp.float32),
    ],
)
def _deg_kernel(dst_hbm, ones_hbm, zeros_hbm, out_hbm,
                dst_c, ones_v, acc_s):
    c = lax.axis_index("c")
    s = lax.axis_index("s")
    off = c * E + s * EW
    pltpu.sync_copy(ones_hbm, ones_v)
    pltpu.sync_copy(zeros_hbm, acc_s.at[pl.ds(s * STRIPE, STRIPE)])
    plsc.subcore_barrier()

    def body(j, carry):
        pltpu.sync_copy(dst_hbm.at[pl.ds(off + j * C, C)], dst_c)
        pltpu.sync_copy(ones_v, acc_s.at[dst_c], add=True)
        return carry

    lax.fori_loop(0, NCH, body, 0)
    plsc.subcore_barrier()
    pltpu.sync_copy(acc_s.at[pl.ds(s * STRIPE, STRIPE)],
                    out_hbm.at[pl.ds(c * NPAD + s * STRIPE, STRIPE)])


def _make_propagate(F):
    @functools.partial(
        pl.kernel,
        out_type=jax.ShapeDtypeStruct((M2, F), jnp.float32),
        mesh=_sc_mesh(),
        scratch_types=[
            pltpu.VMEM((EW,), jnp.int32),
            pltpu.VMEM((C,), jnp.int32),
            pltpu.VMEM((C,), jnp.int32),
            pltpu.VMEM((C, F), jnp.float32),
            pltpu.VMEM((C, F), jnp.float32),
            pltpu.VMEM_SHARED((NPAD, F), jnp.float32),
            pltpu.SemaphoreType.DMA,
            pltpu.SemaphoreType.DMA,
        ],
    )
    def _prop(src_hbm, dst_hbm, xw_hbm, zeros_hbm, out_hbm,
              src_all, dst_c0, dst_c1, rows_v0, rows_v1, acc_s, sem0, sem1):
        c = lax.axis_index("c")
        s = lax.axis_index("s")
        off = c * E + s * EW
        pltpu.sync_copy(src_hbm.at[pl.ds(off, EW)], src_all)
        pltpu.sync_copy(zeros_hbm, acc_s.at[pl.ds(s * STRIPE, STRIPE)])
        plsc.subcore_barrier()

        def body(i, carry):
            j0 = (2 * i) * C
            j1 = (2 * i + 1) * C
            g0 = pltpu.async_copy(
                xw_hbm.at[src_all.at[pl.ds(j0, C)]], rows_v0, sem0)
            g1 = pltpu.async_copy(
                xw_hbm.at[src_all.at[pl.ds(j1, C)]], rows_v1, sem1)
            pltpu.sync_copy(dst_hbm.at[pl.ds(off + j0, C)], dst_c0)
            pltpu.sync_copy(dst_hbm.at[pl.ds(off + j1, C)], dst_c1)
            g0.wait()
            pltpu.sync_copy(rows_v0, acc_s.at[dst_c0], add=True)
            g1.wait()
            pltpu.sync_copy(rows_v1, acc_s.at[dst_c1], add=True)
            return carry

        lax.fori_loop(0, NCH // 2, body, 0)
        plsc.subcore_barrier()
        pltpu.sync_copy(acc_s.at[pl.ds(s * STRIPE, STRIPE)],
                        out_hbm.at[pl.ds(c * NPAD + s * STRIPE, STRIPE)])

    return _prop


_prop_128 = _make_propagate(128)


@functools.partial(
    pl.kernel,
    out_type=jax.ShapeDtypeStruct((M2, 128), jnp.float32),
    mesh=_sc_mesh(),
    scratch_types=[
        pltpu.VMEM((C,), jnp.int32),
        pltpu.VMEM((C, 128), jnp.float32),
        pltpu.VMEM_SHARED((NPAD, 128), jnp.float32),
    ],
)
def _deg128(dst_hbm, ones_hbm, zeros_hbm, out_hbm, dst_c, ones_v, acc_s):
    c = lax.axis_index("c")
    s = lax.axis_index("s")
    off = c * E + s * EW
    pltpu.sync_copy(ones_hbm, ones_v)
    pltpu.sync_copy(zeros_hbm, acc_s.at[pl.ds(s * STRIPE, STRIPE)])
    plsc.subcore_barrier()

    def body(j, carry):
        pltpu.sync_copy(dst_hbm.at[pl.ds(off + j * C, C)], dst_c)
        pltpu.sync_copy(ones_v, acc_s.at[dst_c], add=True)
        return carry

    lax.fori_loop(0, NCH, body, 0)
    plsc.subcore_barrier()
    pltpu.sync_copy(acc_s.at[pl.ds(s * STRIPE, STRIPE)],
                    out_hbm.at[pl.ds(c * NPAD + s * STRIPE, STRIPE)])



def _scale_matmul(x, w, dinv_a):
    M, K = x.shape
    F = w.shape[1]

    def body(x_ref, w_ref, dinv_ref, o_ref):
        dinv = dinv_ref[...]
        o_ref[...] = jnp.dot(x_ref[...], w_ref[...],
                             preferred_element_type=jnp.float32) * dinv

    return pl.pallas_call(
        body,
        grid=(M // BM,),
        in_specs=[pl.BlockSpec((BM, K), lambda i: (i, 0)),
                  pl.BlockSpec((K, F), lambda i: (0, 0)),
                  pl.BlockSpec((BM, 1), lambda i: (i, 0))],
        out_specs=pl.BlockSpec((BM, F), lambda i: (i, 0)),
        out_shape=jax.ShapeDtypeStruct((M, F), jnp.float32),
    )(x, w, dinv_a)


def _fuse_matmul(acc, xwp, dinv_a, b, w):
    M, K = acc.shape
    F = w.shape[1]

    def body(a_ref, x_ref, dinv_ref, b_ref, w_ref, o_ref):
        dinv = dinv_ref[...]
        h = jnp.maximum(dinv * (a_ref[...] + x_ref[...]) + b_ref[...], 0.0)
        o_ref[...] = jnp.dot(h, w_ref[...],
                             preferred_element_type=jnp.float32) * dinv

    return pl.pallas_call(
        body,
        grid=(M // BM,),
        in_specs=[pl.BlockSpec((BM, K), lambda i: (i, 0)),
                  pl.BlockSpec((BM, K), lambda i: (i, 0)),
                  pl.BlockSpec((BM, 1), lambda i: (i, 0)),
                  pl.BlockSpec((1, K), lambda i: (0, 0)),
                  pl.BlockSpec((K, F), lambda i: (0, 0))],
        out_specs=pl.BlockSpec((BM, F), lambda i: (i, 0)),
        out_shape=jax.ShapeDtypeStruct((M, F), jnp.float32),
    )(acc, xwp, dinv_a, b, w)


def _tail_emb_gc(acc, xwp, dinv_a, b3, attW):

    def body(a_ref, x_ref, dinv_ref, b3_ref, attW_ref, emb_ref, gc_ref):
        emb = dinv_ref[...] * (a_ref[...] + x_ref[...]) + b3_ref[...]
        emb_ref[...] = emb
        m1 = jnp.sum(emb[:N], axis=0, keepdims=True) * (1.0 / N)
        m2 = jnp.sum(emb[NPAD:NPAD + N], axis=0, keepdims=True) * (1.0 / N)
        gc_ref[...] = jnp.concatenate(
            [jnp.dot(m1, attW_ref[...], preferred_element_type=jnp.float32),
             jnp.dot(m2, attW_ref[...], preferred_element_type=jnp.float32)],
            axis=0)

    return pl.pallas_call(
        body,
        out_shape=[jax.ShapeDtypeStruct((M2, F3), jnp.float32),
                   jax.ShapeDtypeStruct((2, F3), jnp.float32)],
    )(acc, xwp, dinv_a, b3, attW)


def _tail_logits(emb, tg):

    def body(emb_ref, tg_ref, o_ref):
        e = emb_ref[...]
        o_ref[...] = jnp.zeros((M2, 1), jnp.float32)
        o_ref[:N, :] = lax.dot_general(
            e[:N], tg_ref[0:1, :], (((1,), (1,)), ((), ())),
            preferred_element_type=jnp.float32)
        o_ref[NPAD:NPAD + N, :] = lax.dot_general(
            e[NPAD:NPAD + N], tg_ref[1:2, :], (((1,), (1,)), ((), ())),
            preferred_element_type=jnp.float32)

    return pl.pallas_call(
        body,
        out_shape=jax.ShapeDtypeStruct((M2, 1), jnp.float32),
    )(emb, tg)


def _pool(emb, sig):

    def body(emb_ref, sig_ref, o_ref):
        e = emb_ref[...]
        s = sig_ref[...]
        p1c = lax.dot_general(e[:N], s[:N], (((0,), (0,)), ((), ())),
                              preferred_element_type=jnp.float32)
        p2c = lax.dot_general(e[NPAD:NPAD + N], s[NPAD:NPAD + N],
                              (((0,), (0,)), ((), ())),
                              preferred_element_type=jnp.float32)
        o_ref[...] = jnp.concatenate([p1c, p2c], axis=0)

    return pl.pallas_call(
        body, out_shape=jax.ShapeDtypeStruct((2 * F3, 1), jnp.float32),
    )(emb, sig)


def kernel(edge_index_1, edge_index_2, features_1, features_2, W1, b1, W2, b2,
           W3, b3, attW, ntnW, ntnV, ntnB, fcW, fcb, scW, scb):
    src = jnp.concatenate([edge_index_1[0], edge_index_2[0] + NPAD])
    dst = jnp.concatenate([edge_index_1[1], edge_index_2[1]])
    pad = jnp.zeros((NPAD - N, 128), jnp.float32)
    x = jnp.concatenate([features_1, pad, features_2, pad], axis=0)

    ones = jnp.ones((C, 1), jnp.float32)
    z1 = jnp.zeros((STRIPE, 1), jnp.float32)
    z128 = jnp.zeros((STRIPE, 128), jnp.float32)

    ones_blk = jnp.ones((C, 128), jnp.float32)
    deg = _deg128(dst, ones_blk, z128)[:, :1]

    W2p = jnp.zeros((128, 128), jnp.float32).at[:, :64].set(W2)
    b1p = b1.reshape(1, -1)
    b2p = jnp.zeros((1, 128), jnp.float32).at[:, :64].set(b2.reshape(1, -1))
    W3p = jnp.zeros((128, 128), jnp.float32).at[:64, :32].set(W3)

    dinv = lax.rsqrt(deg + 1.0)
    xw1 = _scale_matmul(x, W1, dinv)
    acc1 = _prop_128(src, dst, xw1, z128)
    xw2 = _fuse_matmul(acc1, xw1, dinv, b1p, W2p)
    acc2 = _prop_128(src, dst, xw2, z128)
    xw3 = _fuse_matmul(acc2, xw2, dinv, b2p, W3p)
    acc3 = _prop_128(src, dst, xw3, z128)

    emb, gc = _tail_emb_gc(acc3[:, :F3], xw3[:, :F3], dinv,
                           b3.reshape(1, -1), attW)
    tg = jnp.tanh(gc)
    sig = jax.nn.sigmoid(_tail_logits(emb, tg))
    comb = _pool(emb, sig)
    p1, p2 = comb[:F3], comb[F3:]
    scoring = (p1.T @ ntnW.reshape(F3, -1)).reshape(F3, T)
    scoring = scoring.T @ p2
    block = ntnV @ comb
    scores = jax.nn.relu(scoring + block + ntnB).squeeze()
    scores = jax.nn.relu(scores @ fcW.T + fcb)
    return jax.nn.sigmoid(scores @ scW.T + scb)

# --- scband reference (transcript-rebuilt; emitter-appended) ---
"""Pipeline reference for scband-sim-gnn-30992484008113 (READ-ONLY COPY).

The authoritative reference and input builder live on the scoring server;
editing this copy changes nothing except your own understanding.
"""

import jax, jax.numpy as jnp
import numpy as np

N = 10000
E = 320000
F0, F1, F2, F3 = 128, 128, 64, 32
T = 16
BN = 16


def setup_inputs(seed: int = 0) -> dict:
    key = jax.random.key(seed)
    ks = jax.random.split(key, 20)
    inp = {}
    inp['edge_index_1'] = jax.random.randint(ks[0], (2, E), 0, N).astype(jnp.int32)
    inp['edge_index_2'] = jax.random.randint(ks[1], (2, E), 0, N).astype(jnp.int32)
    inp['features_1'] = jax.random.normal(ks[2], (N, F0), dtype=jnp.float32)
    inp['features_2'] = jax.random.normal(ks[3], (N, F0), dtype=jnp.float32)
    s = 0.05
    inp['W1'] = jax.random.normal(ks[4], (F0, F1), dtype=jnp.float32) * s
    inp['b1'] = jnp.zeros((F1,), dtype=jnp.float32)
    inp['W2'] = jax.random.normal(ks[5], (F1, F2), dtype=jnp.float32) * s
    inp['b2'] = jnp.zeros((F2,), dtype=jnp.float32)
    inp['W3'] = jax.random.normal(ks[6], (F2, F3), dtype=jnp.float32) * s
    inp['b3'] = jnp.zeros((F3,), dtype=jnp.float32)
    inp['attW'] = jax.random.normal(ks[7], (F3, F3), dtype=jnp.float32) * s
    inp['ntnW'] = jax.random.normal(ks[8], (F3, F3, T), dtype=jnp.float32) * s
    inp['ntnV'] = jax.random.normal(ks[9], (T, 2 * F3), dtype=jnp.float32) * s
    inp['ntnB'] = jnp.zeros((T, 1), dtype=jnp.float32)
    inp['fcW'] = jax.random.normal(ks[10], (BN, T), dtype=jnp.float32) * s
    inp['fcb'] = jnp.zeros((BN,), dtype=jnp.float32)
    inp['scW'] = jax.random.normal(ks[11], (1, BN), dtype=jnp.float32) * s
    inp['scb'] = jnp.zeros((1,), dtype=jnp.float32)
    return inp


def gcn(x, ei, W, b):
    n = x.shape[0]
    src, dst = ei[0], ei[1]
    loop = jnp.arange(n, dtype=src.dtype)
    s = jnp.concatenate([src, loop])
    d = jnp.concatenate([dst, loop])
    xw = x @ W
    deg = jnp.zeros((n,), dtype=xw.dtype).at[d].add(1.0)
    dinv = jnp.where(deg > 0, jax.lax.rsqrt(deg), 0.0)
    norm = dinv[s] * dinv[d]
    out = jnp.zeros_like(xw).at[d].add(xw[s] * norm[:, None])
    return out + b


def conv_pass(ei, x, W1, b1, W2, b2, W3, b3):
    h = jax.nn.relu(gcn(x, ei, W1, b1))
    h = jax.nn.relu(gcn(h, ei, W2, b2))
    return gcn(h, ei, W3, b3)


def attention(emb, attW):
    gc = jnp.mean(emb @ attW, axis=0)
    tg = jnp.tanh(gc)
    sig = jax.nn.sigmoid(emb @ tg[:, None])
    return emb.T @ sig


def ntn(e1, e2, Wt, V, b):
    scoring = (e1.T @ Wt.reshape(F3, -1)).reshape(F3, T)
    scoring = scoring.T @ e2
    combined = jnp.concatenate([e1, e2], axis=0)
    block = V @ combined
    return jax.nn.relu(scoring + block + b)


def reference(edge_index_1, edge_index_2, features_1, features_2, W1, b1, W2, b2, W3, b3, attW, ntnW, ntnV, ntnB, fcW, fcb, scW, scb):
    a1 = conv_pass(edge_index_1, features_1, W1, b1, W2, b2, W3, b3)
    a2 = conv_pass(edge_index_2, features_2, W1, b1, W2, b2, W3, b3)
    p1 = attention(a1, attW)
    p2 = attention(a2, attW)
    scores = ntn(p1, p2, ntnW, ntnV, ntnB).squeeze()
    scores = jax.nn.relu(scores @ fcW.T + fcb)
    score = jax.nn.sigmoid(scores @ scW.T + scb)
    return score

if __name__ == "__main__":
    import jax
    _d = setup_inputs()
    print(jax.jit(kernel)(*tuple(_d.values())))

</pallas_src>

<mosaic_0001>
#map = affine_map<(d0, d1) -> (0)>
#map1 = affine_map<(d0, d1) -> (0, 0)>
module attributes {stable_mosaic.version = 14 : i64} {
  func.func @_prop(%arg0: i32, %arg1: i32, %arg2: memref<640000xi32, #tpu.memory_space<hbm>>, %arg3: memref<640000xi32, #tpu.memory_space<hbm>>, %arg4: memref<20480x128xf32, #tpu.memory_space<hbm>>, %arg5: memref<640x128xf32, #tpu.memory_space<hbm>>, %arg6: memref<20480x128xf32, #tpu.memory_space<hbm>>, %arg7: memref<20000xi32, #tpu.memory_space<vmem>>, %arg8: memref<80xi32, #tpu.memory_space<vmem>>, %arg9: memref<80xi32, #tpu.memory_space<vmem>>, %arg10: memref<80x128xf32, #tpu.memory_space<vmem>>, %arg11: memref<80x128xf32, #tpu.memory_space<vmem>>, %arg12: memref<10240x128xf32, #tpu.memory_space<vmem_shared>>, %arg13: memref<!tpu.dma_semaphore, #tpu.memory_space<semaphore_mem>>, %arg14: memref<!tpu.dma_semaphore, #tpu.memory_space<semaphore_mem>>) attributes {dimension_semantics = [#tpu.dimension_semantics<core_parallel>, #tpu.dimension_semantics<subcore_parallel>], iteration_bounds = array<i64: 2, 16>, scalar_prefetch = 0 : i64, scratch_operands = 8 : i64, tpu.core_type = #tpu.core_type<sc_vector_subcore>, window_params = [{transform_indices = #map}, {transform_indices = #map}, {transform_indices = #map1}, {transform_indices = #map1}, {transform_indices = #map1}]} {
    %mul3A = arith.constant 320000 : i32
    %mul3A_0 = arith.muli %arg0, %mul3A : i32
    %mul3A_1 = arith.constant 20000 : i32
    %mul3A_2 = arith.muli %arg1, %mul3A_1 : i32
    %add3A = arith.addi %mul3A_0, %mul3A_2 : i32
    "tpu.region"() ({
      %run_scoped3A = tpu.sem_alloc : memref<!tpu.dma_semaphore, #tpu.memory_space<semaphore_mem>>
      %dma_start3A = tpu.memref_slice %arg2[%add3A] : memref<640000xi32, #tpu.memory_space<hbm>> -> memref<20000xi32, #tpu.memory_space<hbm>>
      %dma_start3A_18 = tpu.memref_slice %arg2[%add3A] : memref<640000xi32, #tpu.memory_space<hbm>> -> memref<20000xi32, #tpu.memory_space<hbm>>
      tpu.enqueue_dma source(%dma_start3A_18 : memref<20000xi32, #tpu.memory_space<hbm>>) target(%arg7 : memref<20000xi32, #tpu.memory_space<vmem>>) target_semaphore(%run_scoped3A : memref<!tpu.dma_semaphore, #tpu.memory_space<semaphore_mem>>)
      %dma_wait3A = tpu.memref_slice %arg2[%add3A] : memref<640000xi32, #tpu.memory_space<hbm>> -> memref<20000xi32, #tpu.memory_space<hbm>>
      %dma_wait3A_19 = tpu.memref_slice %arg2[%add3A] : memref<640000xi32, #tpu.memory_space<hbm>> -> memref<20000xi32, #tpu.memory_space<hbm>>
      tpu.wait_dma2 semaphore(%run_scoped3A : memref<!tpu.dma_semaphore, #tpu.memory_space<semaphore_mem>>) src(%dma_wait3A_19 : memref<20000xi32, #tpu.memory_space<hbm>>) dst(%arg7 : memref<20000xi32, #tpu.memory_space<vmem>>)
      tpu.yield
    }) : () -> ()
    %mul3A_3 = arith.constant 640 : i32
    %mul3A_4 = arith.muli %arg1, %mul3A_3 : i32
    "tpu.region"() ({
      %run_scoped3A = tpu.sem_alloc : memref<!tpu.dma_semaphore, #tpu.memory_space<semaphore_mem>>
      %dma_start3A = arith.constant 0 : i32
      %dma_start3A_18 = tpu.memref_slice %arg12[%mul3A_4, %dma_start3A] : memref<10240x128xf32, #tpu.memory_space<vmem_shared>> -> memref<640x128xf32, #tpu.memory_space<vmem_shared>>
      tpu.enqueue_dma source(%arg5 : memref<640x128xf32, #tpu.memory_space<hbm>>) target(%dma_start3A_18 : memref<640x128xf32, #tpu.memory_space<vmem_shared>>) target_semaphore(%run_scoped3A : memref<!tpu.dma_semaphore, #tpu.memory_space<semaphore_mem>>)
      %dma_wait3A = arith.constant 0 : i32
      %dma_wait3A_19 = tpu.memref_slice %arg12[%mul3A_4, %dma_wait3A] : memref<10240x128xf32, #tpu.memory_space<vmem_shared>> -> memref<640x128xf32, #tpu.memory_space<vmem_shared>>
      tpu.wait_dma2 semaphore(%run_scoped3A : memref<!tpu.dma_semaphore, #tpu.memory_space<semaphore_mem>>) src(%arg5 : memref<640x128xf32, #tpu.memory_space<hbm>>) dst(%dma_wait3A_19 : memref<640x128xf32, #tpu.memory_space<vmem_shared>>)
      tpu.yield
    }) : () -> ()
    %barrier3A = arith.constant 0 : index
    tpu.barrier barrier_id(%barrier3A)
    %scan3A = arith.constant 0 : i32
    %scan3A_5 = arith.constant 0 : i32
    %scan3A_6 = arith.constant 125 : i32
    %scan3A_7 = arith.addi %scan3A_5, %scan3A_6 : i32
    %scan3A_8 = arith.constant 1 : i32
    scf.for %scan3A_18 = %scan3A_5 to %scan3A_7 step %scan3A_8  : i32 {
      %mul3A_19 = arith.constant 2 : i32
      %mul3A_20 = arith.muli %mul3A_19, %scan3A_18 : i32
      %mul3A_21 = arith.constant 80 : i32
      %mul3A_22 = arith.muli %mul3A_20, %mul3A_21 : i32
      %mul3A_23 = arith.constant 2 : i32
      %mul3A_24 = arith.muli %mul3A_23, %scan3A_18 : i32
      %add3A_25 = arith.constant 1 : i32
      %add3A_26 = arith.addi %mul3A_24, %add3A_25 : i32
      %mul3A_27 = arith.constant 80 : i32
      %mul3A_28 = arith.muli %add3A_26, %mul3A_27 : i32
      %dma_start3A = tpu.memref_slice %arg7[%mul3A_22] : memref<20000xi32, #tpu.memory_space<vmem>> -> memref<80xi32, #tpu.memory_space<vmem>>
      %dma_start3A_29 = arith.constant 0 : i32
      %dma_start3A_30 = arith.constant 0 : i32
      %dma_start3A_31 = tpu.memref_slice %arg4[%dma_start3A_29, %dma_start3A_30] : memref<20480x128xf32, #tpu.memory_space<hbm>> -> memref<20480x128xf32, #tpu.memory_space<hbm>>
      tpu.enqueue_indirect_dma source(%dma_start3A_31 : memref<20480x128xf32, #tpu.memory_space<hbm>>) target(%arg10 : memref<80x128xf32, #tpu.memory_space<vmem>>) offsets(%dma_start3A : memref<80xi32, #tpu.memory_space<vmem>>) semaphore(%arg13 : memref<!tpu.dma_semaphore, #tpu.memory_space<semaphore_mem>>)
      %dma_start3A_32 = tpu.memref_slice %arg7[%mul3A_28] : memref<20000xi32, #tpu.memory_space<vmem>> -> memref<80xi32, #tpu.memory_space<vmem>>
      %dma_start3A_33 = arith.constant 0 : i32
      %dma_start3A_34 = arith.constant 0 : i32
      %dma_start3A_35 = tpu.memref_slice %arg4[%dma_start3A_33, %dma_start3A_34] : memref<20480x128xf32, #tpu.memory_space<hbm>> -> memref<20480x128xf32, #tpu.memory_space<hbm>>
      tpu.enqueue_indirect_dma source(%dma_start3A_35 : memref<20480x128xf32, #tpu.memory_space<hbm>>) target(%arg11 : memref<80x128xf32, #tpu.memory_space<vmem>>) offsets(%dma_start3A_32 : memref<80xi32, #tpu.memory_space<vmem>>) semaphore(%arg14 : memref<!tpu.dma_semaphore, #tpu.memory_space<semaphore_mem>>)
      %add3A_36 = arith.addi %add3A, %mul3A_22 : i32
      "tpu.region"() ({
        %run_scoped3A = tpu.sem_alloc : memref<!tpu.dma_semaphore, #tpu.memory_space<semaphore_mem>>
        %dma_start3A_45 = tpu.memref_slice %arg3[%add3A_36] : memref<640000xi32, #tpu.memory_space<hbm>> -> memref<80xi32, #tpu.memory_space<hbm>>
        %dma_start3A_46 = tpu.memref_slice %arg3[%add3A_36] : memref<640000xi32, #tpu.memory_space<hbm>> -> memref<80xi32, #tpu.memory_space<hbm>>
        tpu.enqueue_dma source(%dma_start3A_46 : memref<80xi32, #tpu.memory_space<hbm>>) target(%arg8 : memref<80xi32, #tpu.memory_space<vmem>>) target_semaphore(%run_scoped3A : memref<!tpu.dma_semaphore, #tpu.memory_space<semaphore_mem>>)
        %dma_wait3A_47 = tpu.memref_slice %arg3[%add3A_36] : memref<640000xi32, #tpu.memory_space<hbm>> -> memref<80xi32, #tpu.memory_space<hbm>>
        %dma_wait3A_48 = tpu.memref_slice %arg3[%add3A_36] : memref<640000xi32, #tpu.memory_space<hbm>> -> memref<80xi32, #tpu.memory_space<hbm>>
        tpu.wait_dma2 semaphore(%run_scoped3A : memref<!tpu.dma_semaphore, #tpu.memory_space<semaphore_mem>>) src(%dma_wait3A_48 : memref<80xi32, #tpu.memory_space<hbm>>) dst(%arg8 : memref<80xi32, #tpu.memory_space<vmem>>)
        tpu.yield
      }) : () -> ()
      %add3A_37 = arith.addi %add3A, %mul3A_28 : i32
      "tpu.region"() ({
        %run_scoped3A = tpu.sem_alloc : memref<!tpu.dma_semaphore, #tpu.memory_space<semaphore_mem>>
        %dma_start3A_45 = tpu.memref_slice %arg3[%add3A_37] : memref<640000xi32, #tpu.memory_space<hbm>> -> memref<80xi32, #tpu.memory_space<hbm>>
        %dma_start3A_46 = tpu.memref_slice %arg3[%add3A_37] : memref<640000xi32, #tpu.memory_space<hbm>> -> memref<80xi32, #tpu.memory_space<hbm>>
        tpu.enqueue_dma source(%dma_start3A_46 : memref<80xi32, #tpu.memory_space<hbm>>) target(%arg9 : memref<80xi32, #tpu.memory_space<vmem>>) target_semaphore(%run_scoped3A : memref<!tpu.dma_semaphore, #tpu.memory_space<semaphore_mem>>)
        %dma_wait3A_47 = tpu.memref_slice %arg3[%add3A_37] : memref<640000xi32, #tpu.memory_space<hbm>> -> memref<80xi32, #tpu.memory_space<hbm>>
        %dma_wait3A_48 = tpu.memref_slice %arg3[%add3A_37] : memref<640000xi32, #tpu.memory_space<hbm>> -> memref<80xi32, #tpu.memory_space<hbm>>
        tpu.wait_dma2 semaphore(%run_scoped3A : memref<!tpu.dma_semaphore, #tpu.memory_space<semaphore_mem>>) src(%dma_wait3A_48 : memref<80xi32, #tpu.memory_space<hbm>>) dst(%arg9 : memref<80xi32, #tpu.memory_space<vmem>>)
        tpu.yield
      }) : () -> ()
      %dma_wait3A = tpu.memref_slice %arg7[%mul3A_22] : memref<20000xi32, #tpu.memory_space<vmem>> -> memref<80xi32, #tpu.memory_space<vmem>>
      %dma_wait3A_38 = arith.constant 0 : i32
      %dma_wait3A_39 = arith.constant 0 : i32
      %dma_wait3A_40 = tpu.memref_slice %arg4[%dma_wait3A_38, %dma_wait3A_39] : memref<20480x128xf32, #tpu.memory_space<hbm>> -> memref<20480x128xf32, #tpu.memory_space<hbm>>
      tpu.wait_indirect_dma semaphore(%arg13 : memref<!tpu.dma_semaphore, #tpu.memory_space<semaphore_mem>>) src(%dma_wait3A_40 : memref<20480x128xf32, #tpu.memory_space<hbm>>) dst(%arg10 : memref<80x128xf32, #tpu.memory_space<vmem>>)
      "tpu.region"() ({
        %run_scoped3A = tpu.sem_alloc : memref<!tpu.dma_semaphore, #tpu.memory_space<semaphore_mem>>
        %dma_start3A_45 = arith.constant 0 : i32
        %dma_start3A_46 = arith.constant 0 : i32
        %dma_start3A_47 = tpu.memref_slice %arg12[%dma_start3A_45, %dma_start3A_46] : memref<10240x128xf32, #tpu.memory_space<vmem_shared>> -> memref<10240x128xf32, #tpu.memory_space<vmem_shared>>
        tpu.enqueue_indirect_dma source(%arg10 : memref<80x128xf32, #tpu.memory_space<vmem>>) target(%dma_start3A_47 : memref<10240x128xf32, #tpu.memory_space<vmem_shared>>) offsets(%arg8 : memref<80xi32, #tpu.memory_space<vmem>>) semaphore(%run_scoped3A : memref<!tpu.dma_semaphore, #tpu.memory_space<semaphore_mem>>) {add = true}
        %dma_wait3A_48 = arith.constant 0 : i32
        %dma_wait3A_49 = arith.constant 0 : i32
        %dma_wait3A_50 = tpu.memref_slice %arg12[%dma_wait3A_48, %dma_wait3A_49] : memref<10240x128xf32, #tpu.memory_space<vmem_shared>> -> memref<10240x128xf32, #tpu.memory_space<vmem_shared>>
        tpu.wait_indirect_dma semaphore(%run_scoped3A : memref<!tpu.dma_semaphore, #tpu.memory_space<semaphore_mem>>) src(%arg10 : memref<80x128xf32, #tpu.memory_space<vmem>>) dst(%dma_wait3A_50 : memref<10240x128xf32, #tpu.memory_space<vmem_shared>>)
        tpu.yield
      }) : () -> ()
      %dma_wait3A_41 = tpu.memref_slice %arg7[%mul3A_28] : memref<20000xi32, #tpu.memory_space<vmem>> -> memref<80xi32, #tpu.memory_space<vmem>>
      %dma_wait3A_42 = arith.constant 0 : i32
      %dma_wait3A_43 = arith.constant 0 : i32
      %dma_wait3A_44 = tpu.memref_slice %arg4[%dma_wait3A_42, %dma_wait3A_43] : memref<20480x128xf32, #tpu.memory_space<hbm>> -> memref<20480x128xf32, #tpu.memory_space<hbm>>
      tpu.wait_indirect_dma semaphore(%arg14 : memref<!tpu.dma_semaphore, #tpu.memory_space<semaphore_mem>>) src(%dma_wait3A_44 : memref<20480x128xf32, #tpu.memory_space<hbm>>) dst(%arg11 : memref<80x128xf32, #tpu.memory_space<vmem>>)
      "tpu.region"() ({
        %run_scoped3A = tpu.sem_alloc : memref<!tpu.dma_semaphore, #tpu.memory_space<semaphore_mem>>
        %dma_start3A_45 = arith.constant 0 : i32
        %dma_start3A_46 = arith.constant 0 : i32
        %dma_start3A_47 = tpu.memref_slice %arg12[%dma_start3A_45, %dma_start3A_46] : memref<10240x128xf32, #tpu.memory_space<vmem_shared>> -> memref<10240x128xf32, #tpu.memory_space<vmem_shared>>
        tpu.enqueue_indirect_dma source(%arg11 : memref<80x128xf32, #tpu.memory_space<vmem>>) target(%dma_start3A_47 : memref<10240x128xf32, #tpu.memory_space<vmem_shared>>) offsets(%arg9 : memref<80xi32, #tpu.memory_space<vmem>>) semaphore(%run_scoped3A : memref<!tpu.dma_semaphore, #tpu.memory_space<semaphore_mem>>) {add = true}
        %dma_wait3A_48 = arith.constant 0 : i32
        %dma_wait3A_49 = arith.constant 0 : i32
        %dma_wait3A_50 = tpu.memref_slice %arg12[%dma_wait3A_48, %dma_wait3A_49] : memref<10240x128xf32, #tpu.memory_space<vmem_shared>> -> memref<10240x128xf32, #tpu.memory_space<vmem_shared>>
        tpu.wait_indirect_dma semaphore(%run_scoped3A : memref<!tpu.dma_semaphore, #tpu.memory_space<semaphore_mem>>) src(%arg11 : memref<80x128xf32, #tpu.memory_space<vmem>>) dst(%dma_wait3A_50 : memref<10240x128xf32, #tpu.memory_space<vmem_shared>>)
        tpu.yield
      }) : () -> ()
    }
    %scan3A_9 = arith.constant 125 : i32
    %barrier3A_10 = arith.constant 0 : index
    tpu.barrier barrier_id(%barrier3A_10)
    %mul3A_11 = arith.constant 640 : i32
    %mul3A_12 = arith.muli %arg1, %mul3A_11 : i32
    %mul3A_13 = arith.constant 10240 : i32
    %mul3A_14 = arith.muli %arg0, %mul3A_13 : i32
    %mul3A_15 = arith.constant 640 : i32
    %mul3A_16 = arith.muli %arg1, %mul3A_15 : i32
    %add3A_17 = arith.addi %mul3A_14, %mul3A_16 : i32
    "tpu.region"() ({
      %run_scoped3A = tpu.sem_alloc : memref<!tpu.dma_semaphore, #tpu.memory_space<semaphore_mem>>
      %dma_start3A = arith.constant 0 : i32
      %dma_start3A_18 = tpu.memref_slice %arg6[%add3A_17, %dma_start3A] : memref<20480x128xf32, #tpu.memory_space<hbm>> -> memref<640x128xf32, #tpu.memory_space<hbm>>
      %dma_start3A_19 = arith.constant 0 : i32
      %dma_start3A_20 = tpu.memref_slice %arg12[%mul3A_12, %dma_start3A_19] : memref<10240x128xf32, #tpu.memory_space<vmem_shared>> -> memref<640x128xf32, #tpu.memory_space<vmem_shared>>
      tpu.enqueue_dma source(%dma_start3A_20 : memref<640x128xf32, #tpu.memory_space<vmem_shared>>) target(%dma_start3A_18 : memref<640x128xf32, #tpu.memory_space<hbm>>) target_semaphore(%run_scoped3A : memref<!tpu.dma_semaphore, #tpu.memory_space<semaphore_mem>>)
      %dma_wait3A = arith.constant 0 : i32
      %dma_wait3A_21 = tpu.memref_slice %arg6[%add3A_17, %dma_wait3A] : memref<20480x128xf32, #tpu.memory_space<hbm>> -> memref<640x128xf32, #tpu.memory_space<hbm>>
      %dma_wait3A_22 = arith.constant 0 : i32
      %dma_wait3A_23 = tpu.memref_slice %arg12[%mul3A_12, %dma_wait3A_22] : memref<10240x128xf32, #tpu.memory_space<vmem_shared>> -> memref<640x128xf32, #tpu.memory_space<vmem_shared>>
      tpu.wait_dma2 semaphore(%run_scoped3A : memref<!tpu.dma_semaphore, #tpu.memory_space<semaphore_mem>>) src(%dma_wait3A_23 : memref<640x128xf32, #tpu.memory_space<vmem_shared>>) dst(%dma_wait3A_21 : memref<640x128xf32, #tpu.memory_space<hbm>>)
      tpu.yield
    }) : () -> ()
    return
  }
}

#map = affine_map<(d0, d1) -> (0)>
#map1 = affine_map<(d0, d1) -> (0, 0)>
module attributes {stable_mosaic.version = 14 : i64} {
  func.func @_prop(%arg0: i32, %arg1: i32, %arg2: memref<640000xi32, #tpu.memory_space<hbm>>, %arg3: memref<640000xi32, #tpu.memory_space<hbm>>, %arg4: memref<20480x128xf32, #tpu.memory_space<hbm>>, %arg5: memref<640x128xf32, #tpu.memory_space<hbm>>, %arg6: memref<20480x128xf32, #tpu.memory_space<hbm>>, %arg7: memref<20000xi32, #tpu.memory_space<vmem>>, %arg8: memref<80xi32, #tpu.memory_space<vmem>>, %arg9: memref<80xi32, #tpu.memory_space<vmem>>, %arg10: memref<80x128xf32, #tpu.memory_space<vmem>>, %arg11: memref<80x128xf32, #tpu.memory_space<vmem>>, %arg12: memref<10240x128xf32, #tpu.memory_space<vmem_shared>>, %arg13: memref<!tpu.dma_semaphore, #tpu.memory_space<semaphore_mem>>, %arg14: memref<!tpu.dma_semaphore, #tpu.memory_space<semaphore_mem>>) attributes {dimension_semantics = [#tpu.dimension_semantics<core_parallel>, #tpu.dimension_semantics<subcore_parallel>], iteration_bounds = array<i64: 2, 16>, scalar_prefetch = 0 : i64, scratch_operands = 8 : i64, tpu.core_type = #tpu.core_type<sc_vector_subcore>, window_params = [{transform_indices = #map}, {transform_indices = #map}, {transform_indices = #map1}, {transform_indices = #map1}, {transform_indices = #map1}]} {
    %mul3A = arith.constant 320000 : i32
    %mul3A_0 = arith.muli %arg0, %mul3A : i32
    %mul3A_1 = arith.constant 20000 : i32
    %mul3A_2 = arith.muli %arg1, %mul3A_1 : i32
    %add3A = arith.addi %mul3A_0, %mul3A_2 : i32
    "tpu.region"() ({
      %run_scoped3A = tpu.sem_alloc : memref<!tpu.dma_semaphore, #tpu.memory_space<semaphore_mem>>
      %dma_start3A = tpu.memref_slice %arg2[%add3A] : memref<640000xi32, #tpu.memory_space<hbm>> -> memref<20000xi32, #tpu.memory_space<hbm>>
      %dma_start3A_18 = tpu.memref_slice %arg2[%add3A] : memref<640000xi32, #tpu.memory_space<hbm>> -> memref<20000xi32, #tpu.memory_space<hbm>>
      tpu.enqueue_dma source(%dma_start3A_18 : memref<20000xi32, #tpu.memory_space<hbm>>) target(%arg7 : memref<20000xi32, #tpu.memory_space<vmem>>) target_semaphore(%run_scoped3A : memref<!tpu.dma_semaphore, #tpu.memory_space<semaphore_mem>>)
      %dma_wait3A = tpu.memref_slice %arg2[%add3A] : memref<640000xi32, #tpu.memory_space<hbm>> -> memref<20000xi32, #tpu.memory_space<hbm>>
      %dma_wait3A_19 = tpu.memref_slice %arg2[%add3A] : memref<640000xi32, #tpu.memory_space<hbm>> -> memref<20000xi32, #tpu.memory_space<hbm>>
      tpu.wait_dma2 semaphore(%run_scoped3A : memref<!tpu.dma_semaphore, #tpu.memory_space<semaphore_mem>>) src(%dma_wait3A_19 : memref<20000xi32, #tpu.memory_space<hbm>>) dst(%arg7 : memref<20000xi32, #tpu.memory_space<vmem>>)
      tpu.yield
    }) : () -> ()
    %mul3A_3 = arith.constant 640 : i32
    %mul3A_4 = arith.muli %arg1, %mul3A_3 : i32
    "tpu.region"() ({
      %run_scoped3A = tpu.sem_alloc : memref<!tpu.dma_semaphore, #tpu.memory_space<semaphore_mem>>
      %dma_start3A = arith.constant 0 : i32
      %dma_start3A_18 = tpu.memref_slice %arg12[%mul3A_4, %dma_start3A] : memref<10240x128xf32, #tpu.memory_space<vmem_shared>> -> memref<640x128xf32, #tpu.memory_space<vmem_shared>>
      tpu.enqueue_dma source(%arg5 : memref<640x128xf32, #tpu.memory_space<hbm>>) target(%dma_start3A_18 : memref<640x128xf32, #tpu.memory_space<vmem_shared>>) target_semaphore(%run_scoped3A : memref<!tpu.dma_semaphore, #tpu.memory_space<semaphore_mem>>)
      %dma_wait3A = arith.constant 0 : i32
      %dma_wait3A_19 = tpu.memref_slice %arg12[%mul3A_4, %dma_wait3A] : memref<10240x128xf32, #tpu.memory_space<vmem_shared>> -> memref<640x128xf32, #tpu.memory_space<vmem_shared>>
      tpu.wait_dma2 semaphore(%run_scoped3A : memref<!tpu.dma_semaphore, #tpu.memory_space<semaphore_mem>>) src(%arg5 : memref<640x128xf32, #tpu.memory_space<hbm>>) dst(%dma_wait3A_19 : memref<640x128xf32, #tpu.memory_space<vmem_shared>>)
      tpu.yield
    }) : () -> ()
    %barrier3A = arith.constant 0 : index
    tpu.barrier barrier_id(%barrier3A)
    %scan3A = arith.constant 0 : i32
    %scan3A_5 = arith.constant 0 : i32
    %scan3A_6 = arith.constant 125 : i32
    %scan3A_7 = arith.addi %scan3A_5, %scan3A_6 : i32
    %scan3A_8 = arith.constant 1 : i32
    scf.for %scan3A_18 = %scan3A_5 to %scan3A_7 step %scan3A_8  : i32 {
      %mul3A_19 = arith.constant 2 : i32
      %mul3A_20 = arith.muli %mul3A_19, %scan3A_18 : i32
      %mul3A_21 = arith.constant 80 : i32
      %mul3A_22 = arith.muli %mul3A_20, %mul3A_21 : i32
      %mul3A_23 = arith.constant 2 : i32
      %mul3A_24 = arith.muli %mul3A_23, %scan3A_18 : i32
      %add3A_25 = arith.constant 1 : i32
      %add3A_26 = arith.addi %mul3A_24, %add3A_25 : i32
      %mul3A_27 = arith.constant 80 : i32
      %mul3A_28 = arith.muli %add3A_26, %mul3A_27 : i32
      %dma_start3A = tpu.memref_slice %arg7[%mul3A_22] : memref<20000xi32, #tpu.memory_space<vmem>> -> memref<80xi32, #tpu.memory_space<vmem>>
      %dma_start3A_29 = arith.constant 0 : i32
      %dma_start3A_30 = arith.constant 0 : i32
      %dma_start3A_31 = tpu.memref_slice %arg4[%dma_start3A_29, %dma_start3A_30] : memref<20480x128xf32, #tpu.memory_space<hbm>> -> memref<20480x128xf32, #tpu.memory_space<hbm>>
      tpu.enqueue_indirect_dma source(%dma_start3A_31 : memref<20480x128xf32, #tpu.memory_space<hbm>>) target(%arg10 : memref<80x128xf32, #tpu.memory_space<vmem>>) offsets(%dma_start3A : memref<80xi32, #tpu.memory_space<vmem>>) semaphore(%arg13 : memref<!tpu.dma_semaphore, #tpu.memory_space<semaphore_mem>>)
      %dma_start3A_32 = tpu.memref_slice %arg7[%mul3A_28] : memref<20000xi32, #tpu.memory_space<vmem>> -> memref<80xi32, #tpu.memory_space<vmem>>
      %dma_start3A_33 = arith.constant 0 : i32
      %dma_start3A_34 = arith.constant 0 : i32
      %dma_start3A_35 = tpu.memref_slice %arg4[%dma_start3A_33, %dma_start3A_34] : memref<20480x128xf32, #tpu.memory_space<hbm>> -> memref<20480x128xf32, #tpu.memory_space<hbm>>
      tpu.enqueue_indirect_dma source(%dma_start3A_35 : memref<20480x128xf32, #tpu.memory_space<hbm>>) target(%arg11 : memref<80x128xf32, #tpu.memory_space<vmem>>) offsets(%dma_start3A_32 : memref<80xi32, #tpu.memory_space<vmem>>) semaphore(%arg14 : memref<!tpu.dma_semaphore, #tpu.memory_space<semaphore_mem>>)
      %add3A_36 = arith.addi %add3A, %mul3A_22 : i32
      "tpu.region"() ({
        %run_scoped3A = tpu.sem_alloc : memref<!tpu.dma_semaphore, #tpu.memory_space<semaphore_mem>>
        %dma_start3A_45 = tpu.memref_slice %arg3[%add3A_36] : memref<640000xi32, #tpu.memory_space<hbm>> -> memref<80xi32, #tpu.memory_space<hbm>>
        %dma_start3A_46 = tpu.memref_slice %arg3[%add3A_36] : memref<640000xi32, #tpu.memory_space<hbm>> -> memref<80xi32, #tpu.memory_space<hbm>>
        tpu.enqueue_dma source(%dma_start3A_46 : memref<80xi32, #tpu.memory_space<hbm>>) target(%arg8 : memref<80xi32, #tpu.memory_space<vmem>>) target_semaphore(%run_scoped3A : memref<!tpu.dma_semaphore, #tpu.memory_space<semaphore_mem>>)
        %dma_wait3A_47 = tpu.memref_slice %arg3[%add3A_36] : memref<640000xi32, #tpu.memory_space<hbm>> -> memref<80xi32, #tpu.memory_space<hbm>>
        %dma_wait3A_48 = tpu.memref_slice %arg3[%add3A_36] : memref<640000xi32, #tpu.memory_space<hbm>> -> memref<80xi32, #tpu.memory_space<hbm>>
        tpu.wait_dma2 semaphore(%run_scoped3A : memref<!tpu.dma_semaphore, #tpu.memory_space<semaphore_mem>>) src(%dma_wait3A_48 : memref<80xi32, #tpu.memory_space<hbm>>) dst(%arg8 : memref<80xi32, #tpu.memory_space<vmem>>)
        tpu.yield
      }) : () -> ()
      %add3A_37 = arith.addi %add3A, %mul3A_28 : i32
      "tpu.region"() ({
        %run_scoped3A = tpu.sem_alloc : memref<!tpu.dma_semaphore, #tpu.memory_space<semaphore_mem>>
        %dma_start3A_45 = tpu.memref_slice %arg3[%add3A_37] : memref<640000xi32, #tpu.memory_space<hbm>> -> memref<80xi32, #tpu.memory_space<hbm>>
        %dma_start3A_46 = tpu.memref_slice %arg3[%add3A_37] : memref<640000xi32, #tpu.memory_space<hbm>> -> memref<80xi32, #tpu.memory_space<hbm>>
        tpu.enqueue_dma source(%dma_start3A_46 : memref<80xi32, #tpu.memory_space<hbm>>) target(%arg9 : memref<80xi32, #tpu.memory_space<vmem>>) target_semaphore(%run_scoped3A : memref<!tpu.dma_semaphore, #tpu.memory_space<semaphore_mem>>)
        %dma_wait3A_47 = tpu.memref_slice %arg3[%add3A_37] : memref<640000xi32, #tpu.memory_space<hbm>> -> memref<80xi32, #tpu.memory_space<hbm>>
        %dma_wait3A_48 = tpu.memref_slice %arg3[%add3A_37] : memref<640000xi32, #tpu.memory_space<hbm>> -> memref<80xi32, #tpu.memory_space<hbm>>
        tpu.wait_dma2 semaphore(%run_scoped3A : memref<!tpu.dma_semaphore, #tpu.memory_space<semaphore_mem>>) src(%dma_wait3A_48 : memref<80xi32, #tpu.memory_space<hbm>>) dst(%arg9 : memref<80xi32, #tpu.memory_space<vmem>>)
        tpu.yield
      }) : () -> ()
      %dma_wait3A = tpu.memref_slice %arg7[%mul3A_22] : memref<20000xi32, #tpu.memory_space<vmem>> -> memref<80xi32, #tpu.memory_space<vmem>>
      %dma_wait3A_38 = arith.constant 0 : i32
      %dma_wait3A_39 = arith.constant 0 : i32
      %dma_wait3A_40 = tpu.memref_slice %arg4[%dma_wait3A_38, %dma_wait3A_39] : memref<20480x128xf32, #tpu.memory_space<hbm>> -> memref<20480x128xf32, #tpu.memory_space<hbm>>
      tpu.wait_indirect_dma semaphore(%arg13 : memref<!tpu.dma_semaphore, #tpu.memory_space<semaphore_mem>>) src(%dma_wait3A_40 : memref<20480x128xf32, #tpu.memory_space<hbm>>) dst(%arg10 : memref<80x128xf32, #tpu.memory_space<vmem>>)
      "tpu.region"() ({
        %run_scoped3A = tpu.sem_alloc : memref<!tpu.dma_semaphore, #tpu.memory_space<semaphore_mem>>
        %dma_start3A_45 = arith.constant 0 : i32
        %dma_start3A_46 = arith.constant 0 : i32
        %dma_start3A_47 = tpu.memref_slice %arg12[%dma_start3A_45, %dma_start3A_46] : memref<10240x128xf32, #tpu.memory_space<vmem_shared>> -> memref<10240x128xf32, #tpu.memory_space<vmem_shared>>
        tpu.enqueue_indirect_dma source(%arg10 : memref<80x128xf32, #tpu.memory_space<vmem>>) target(%dma_start3A_47 : memref<10240x128xf32, #tpu.memory_space<vmem_shared>>) offsets(%arg8 : memref<80xi32, #tpu.memory_space<vmem>>) semaphore(%run_scoped3A : memref<!tpu.dma_semaphore, #tpu.memory_space<semaphore_mem>>) {add = true}
        %dma_wait3A_48 = arith.constant 0 : i32
        %dma_wait3A_49 = arith.constant 0 : i32
        %dma_wait3A_50 = tpu.memref_slice %arg12[%dma_wait3A_48, %dma_wait3A_49] : memref<10240x128xf32, #tpu.memory_space<vmem_shared>> -> memref<10240x128xf32, #tpu.memory_space<vmem_shared>>
        tpu.wait_indirect_dma semaphore(%run_scoped3A : memref<!tpu.dma_semaphore, #tpu.memory_space<semaphore_mem>>) src(%arg10 : memref<80x128xf32, #tpu.memory_space<vmem>>) dst(%dma_wait3A_50 : memref<10240x128xf32, #tpu.memory_space<vmem_shared>>)
        tpu.yield
      }) : () -> ()
      %dma_wait3A_41 = tpu.memref_slice %arg7[%mul3A_28] : memref<20000xi32, #tpu.memory_space<vmem>> -> memref<80xi32, #tpu.memory_space<vmem>>
      %dma_wait3A_42 = arith.constant 0 : i32
      %dma_wait3A_43 = arith.constant 0 : i32
      %dma_wait3A_44 = tpu.memref_slice %arg4[%dma_wait3A_42, %dma_wait3A_43] : memref<20480x128xf32, #tpu.memory_space<hbm>> -> memref<20480x128xf32, #tpu.memory_space<hbm>>
      tpu.wait_indirect_dma semaphore(%arg14 : memref<!tpu.dma_semaphore, #tpu.memory_space<semaphore_mem>>) src(%dma_wait3A_44 : memref<20480x128xf32, #tpu.memory_space<hbm>>) dst(%arg11 : memref<80x128xf32, #tpu.memory_space<vmem>>)
      "tpu.region"() ({
        %run_scoped3A = tpu.sem_alloc : memref<!tpu.dma_semaphore, #tpu.memory_space<semaphore_mem>>
        %dma_start3A_45 = arith.constant 0 : i32
        %dma_start3A_46 = arith.constant 0 : i32
        %dma_start3A_47 = tpu.memref_slice %arg12[%dma_start3A_45, %dma_start3A_46] : memref<10240x128xf32, #tpu.memory_space<vmem_shared>> -> memref<10240x128xf32, #tpu.memory_space<vmem_shared>>
        tpu.enqueue_indirect_dma source(%arg11 : memref<80x128xf32, #tpu.memory_space<vmem>>) target(%dma_start3A_47 : memref<10240x128xf32, #tpu.memory_space<vmem_shared>>) offsets(%arg9 : memref<80xi32, #tpu.memory_space<vmem>>) semaphore(%run_scoped3A : memref<!tpu.dma_semaphore, #tpu.memory_space<semaphore_mem>>) {add = true}
        %dma_wait3A_48 = arith.constant 0 : i32
        %dma_wait3A_49 = arith.constant 0 : i32
        %dma_wait3A_50 = tpu.memref_slice %arg12[%dma_wait3A_48, %dma_wait3A_49] : memref<10240x128xf32, #tpu.memory_space<vmem_shared>> -> memref<10240x128xf32, #tpu.memory_space<vmem_shared>>
        tpu.wait_indirect_dma semaphore(%run_scoped3A : memref<!tpu.dma_semaphore, #tpu.memory_space<semaphore_mem>>) src(%arg11 : memref<80x128xf32, #tpu.memory_space<vmem>>) dst(%dma_wait3A_50 : memref<10240x128xf32, #tpu.memory_space<vmem_shared>>)
        tpu.yield
      }) : () -> ()
    }
    %scan3A_9 = arith.constant 125 : i32
    %barrier3A_10 = arith.constant 0 : index
    tpu.barrier barrier_id(%barrier3A_10)
    %mul3A_11 = arith.constant 640 : i32
    %mul3A_12 = arith.muli %arg1, %mul3A_11 : i32
    %mul3A_13 = arith.constant 10240 : i32
    %mul3A_14 = arith.muli %arg0, %mul3A_13 : i32
    %mul3A_15 = arith.constant 640 : i32
    %mul3A_16 = arith.muli %arg1, %mul3A_15 : i32
    %add3A_17 = arith.addi %mul3A_14, %mul3A_16 : i32
    "tpu.region"() ({
      %run_scoped3A = tpu.sem_alloc : memref<!tpu.dma_semaphore, #tpu.memory_space<semaphore_mem>>
      %dma_start3A = arith.constant 0 : i32
      %dma_start3A_18 = tpu.memref_slice %arg6[%add3A_17, %dma_start3A] : memref<20480x128xf32, #tpu.memory_space<hbm>> -> memref<640x128xf32, #tpu.memory_space<hbm>>
      %dma_start3A_19 = arith.constant 0 : i32
      %dma_start3A_20 = tpu.memref_slice %arg12[%mul3A_12, %dma_start3A_19] : memref<10240x128xf32, #tpu.memory_space<vmem_shared>> -> memref<640x128xf32, #tpu.memory_space<vmem_shared>>
      tpu.enqueue_dma source(%dma_start3A_20 : memref<640x128xf32, #tpu.memory_space<vmem_shared>>) target(%dma_start3A_18 : memref<640x128xf32, #tpu.memory_space<hbm>>) target_semaphore(%run_scoped3A : memref<!tpu.dma_semaphore, #tpu.memory_space<semaphore_mem>>)
      %dma_wait3A = arith.constant 0 : i32
      %dma_wait3A_21 = tpu.memref_slice %arg6[%add3A_17, %dma_wait3A] : memref<20480x128xf32, #tpu.memory_space<hbm>> -> memref<640x128xf32, #tpu.memory_space<hbm>>
      %dma_wait3A_22 = arith.constant 0 : i32
      %dma_wait3A_23 = tpu.memref_slice %arg12[%mul3A_12, %dma_wait3A_22] : memref<10240x128xf32, #tpu.memory_space<vmem_shared>> -> memref<640x128xf32, #tpu.memory_space<vmem_shared>>
      tpu.wait_dma2 semaphore(%run_scoped3A : memref<!tpu.dma_semaphore, #tpu.memory_space<semaphore_mem>>) src(%dma_wait3A_23 : memref<640x128xf32, #tpu.memory_space<vmem_shared>>) dst(%dma_wait3A_21 : memref<640x128xf32, #tpu.memory_space<hbm>>)
      tpu.yield
    }) : () -> ()
    return
  }
}

#map = affine_map<(d0, d1) -> (0)>
#map1 = affine_map<(d0, d1) -> (0, 0)>
module attributes {stable_mosaic.version = 14 : i64} {
  func.func @_deg128(%arg0: i32, %arg1: i32, %arg2: memref<640000xi32, #tpu.memory_space<hbm>>, %arg3: memref<80x128xf32, #tpu.memory_space<hbm>>, %arg4: memref<640x128xf32, #tpu.memory_space<hbm>>, %arg5: memref<20480x128xf32, #tpu.memory_space<hbm>>, %arg6: memref<80xi32, #tpu.memory_space<vmem>>, %arg7: memref<80x128xf32, #tpu.memory_space<vmem>>, %arg8: memref<10240x128xf32, #tpu.memory_space<vmem_shared>>) attributes {dimension_semantics = [#tpu.dimension_semantics<core_parallel>, #tpu.dimension_semantics<subcore_parallel>], iteration_bounds = array<i64: 2, 16>, scalar_prefetch = 0 : i64, scratch_operands = 3 : i64, tpu.core_type = #tpu.core_type<sc_vector_subcore>, window_params = [{transform_indices = #map}, {transform_indices = #map1}, {transform_indices = #map1}, {transform_indices = #map1}]} {
    %mul3A = arith.constant 320000 : i32
    %mul3A_0 = arith.muli %arg0, %mul3A : i32
    %mul3A_1 = arith.constant 20000 : i32
    %mul3A_2 = arith.muli %arg1, %mul3A_1 : i32
    %add3A = arith.addi %mul3A_0, %mul3A_2 : i32
    "tpu.region"() ({
      %run_scoped3A = tpu.sem_alloc : memref<!tpu.dma_semaphore, #tpu.memory_space<semaphore_mem>>
      tpu.enqueue_dma source(%arg3 : memref<80x128xf32, #tpu.memory_space<hbm>>) target(%arg7 : memref<80x128xf32, #tpu.memory_space<vmem>>) target_semaphore(%run_scoped3A : memref<!tpu.dma_semaphore, #tpu.memory_space<semaphore_mem>>)
      tpu.wait_dma2 semaphore(%run_scoped3A : memref<!tpu.dma_semaphore, #tpu.memory_space<semaphore_mem>>) src(%arg3 : memref<80x128xf32, #tpu.memory_space<hbm>>) dst(%arg7 : memref<80x128xf32, #tpu.memory_space<vmem>>)
      tpu.yield
    }) : () -> ()
    %mul3A_3 = arith.constant 640 : i32
    %mul3A_4 = arith.muli %arg1, %mul3A_3 : i32
    "tpu.region"() ({
      %run_scoped3A = tpu.sem_alloc : memref<!tpu.dma_semaphore, #tpu.memory_space<semaphore_mem>>
      %dma_start3A = arith.constant 0 : i32
      %dma_start3A_18 = tpu.memref_slice %arg8[%mul3A_4, %dma_start3A] : memref<10240x128xf32, #tpu.memory_space<vmem_shared>> -> memref<640x128xf32, #tpu.memory_space<vmem_shared>>
      tpu.enqueue_dma source(%arg4 : memref<640x128xf32, #tpu.memory_space<hbm>>) target(%dma_start3A_18 : memref<640x128xf32, #tpu.memory_space<vmem_shared>>) target_semaphore(%run_scoped3A : memref<!tpu.dma_semaphore, #tpu.memory_space<semaphore_mem>>)
      %dma_wait3A = arith.constant 0 : i32
      %dma_wait3A_19 = tpu.memref_slice %arg8[%mul3A_4, %dma_wait3A] : memref<10240x128xf32, #tpu.memory_space<vmem_shared>> -> memref<640x128xf32, #tpu.memory_space<vmem_shared>>
      tpu.wait_dma2 semaphore(%run_scoped3A : memref<!tpu.dma_semaphore, #tpu.memory_space<semaphore_mem>>) src(%arg4 : memref<640x128xf32, #tpu.memory_space<hbm>>) dst(%dma_wait3A_19 : memref<640x128xf32, #tpu.memory_space<vmem_shared>>)
      tpu.yield
    }) : () -> ()
    %barrier3A = arith.constant 0 : index
    tpu.barrier barrier_id(%barrier3A)
    %scan3A = arith.constant 0 : i32
    %scan3A_5 = arith.constant 0 : i32
    %scan3A_6 = arith.constant 250 : i32
    %scan3A_7 = arith.addi %scan3A_5, %scan3A_6 : i32
    %scan3A_8 = arith.constant 1 : i32
    scf.for %scan3A_18 = %scan3A_5 to %scan3A_7 step %scan3A_8  : i32 {
      %mul3A_19 = arith.constant 80 : i32
      %mul3A_20 = arith.muli %scan3A_18, %mul3A_19 : i32
      %add3A_21 = arith.addi %add3A, %mul3A_20 : i32
      "tpu.region"() ({
        %run_scoped3A = tpu.sem_alloc : memref<!tpu.dma_semaphore, #tpu.memory_space<semaphore_mem>>
        %dma_start3A = tpu.memref_slice %arg2[%add3A_21] : memref<640000xi32, #tpu.memory_space<hbm>> -> memref<80xi32, #tpu.memory_space<hbm>>
        %dma_start3A_22 = tpu.memref_slice %arg2[%add3A_21] : memref<640000xi32, #tpu.memory_space<hbm>> -> memref<80xi32, #tpu.memory_space<hbm>>
        tpu.enqueue_dma source(%dma_start3A_22 : memref<80xi32, #tpu.memory_space<hbm>>) target(%arg6 : memref<80xi32, #tpu.memory_space<vmem>>) target_semaphore(%run_scoped3A : memref<!tpu.dma_semaphore, #tpu.memory_space<semaphore_mem>>)
        %dma_wait3A = tpu.memref_slice %arg2[%add3A_21] : memref<640000xi32, #tpu.memory_space<hbm>> -> memref<80xi32, #tpu.memory_space<hbm>>
        %dma_wait3A_23 = tpu.memref_slice %arg2[%add3A_21] : memref<640000xi32, #tpu.memory_space<hbm>> -> memref<80xi32, #tpu.memory_space<hbm>>
        tpu.wait_dma2 semaphore(%run_scoped3A : memref<!tpu.dma_semaphore, #tpu.memory_space<semaphore_mem>>) src(%dma_wait3A_23 : memref<80xi32, #tpu.memory_space<hbm>>) dst(%arg6 : memref<80xi32, #tpu.memory_space<vmem>>)
        tpu.yield
      }) : () -> ()
      "tpu.region"() ({
        %run_scoped3A = tpu.sem_alloc : memref<!tpu.dma_semaphore, #tpu.memory_space<semaphore_mem>>
        %dma_start3A = arith.constant 0 : i32
        %dma_start3A_22 = arith.constant 0 : i32
        %dma_start3A_23 = tpu.memref_slice %arg8[%dma_start3A, %dma_start3A_22] : memref<10240x128xf32, #tpu.memory_space<vmem_shared>> -> memref<10240x128xf32, #tpu.memory_space<vmem_shared>>
        tpu.enqueue_indirect_dma source(%arg7 : memref<80x128xf32, #tpu.memory_space<vmem>>) target(%dma_start3A_23 : memref<10240x128xf32, #tpu.memory_space<vmem_shared>>) offsets(%arg6 : memref<80xi32, #tpu.memory_space<vmem>>) semaphore(%run_scoped3A : memref<!tpu.dma_semaphore, #tpu.memory_space<semaphore_mem>>) {add = true}
        %dma_wait3A = arith.constant 0 : i32
        %dma_wait3A_24 = arith.constant 0 : i32
        %dma_wait3A_25 = tpu.memref_slice %arg8[%dma_wait3A, %dma_wait3A_24] : memref<10240x128xf32, #tpu.memory_space<vmem_shared>> -> memref<10240x128xf32, #tpu.memory_space<vmem_shared>>
        tpu.wait_indirect_dma semaphore(%run_scoped3A : memref<!tpu.dma_semaphore, #tpu.memory_space<semaphore_mem>>) src(%arg7 : memref<80x128xf32, #tpu.memory_space<vmem>>) dst(%dma_wait3A_25 : memref<10240x128xf32, #tpu.memory_space<vmem_shared>>)
        tpu.yield
      }) : () -> ()
    }
    %scan3A_9 = arith.constant 250 : i32
    %barrier3A_10 = arith.constant 0 : index
    tpu.barrier barrier_id(%barrier3A_10)
    %mul3A_11 = arith.constant 640 : i32
    %mul3A_12 = arith.muli %arg1, %mul3A_11 : i32
    %mul3A_13 = arith.constant 10240 : i32
    %mul3A_14 = arith.muli %arg0, %mul3A_13 : i32
    %mul3A_15 = arith.constant 640 : i32
    %mul3A_16 = arith.muli %arg1, %mul3A_15 : i32
    %add3A_17 = arith.addi %mul3A_14, %mul3A_16 : i32
    "tpu.region"() ({
      %run_scoped3A = tpu.sem_alloc : memref<!tpu.dma_semaphore, #tpu.memory_space<semaphore_mem>>
      %dma_start3A = arith.constant 0 : i32
      %dma_start3A_18 = tpu.memref_slice %arg5[%add3A_17, %dma_start3A] : memref<20480x128xf32, #tpu.memory_space<hbm>> -> memref<640x128xf32, #tpu.memory_space<hbm>>
      %dma_start3A_19 = arith.constant 0 : i32
      %dma_start3A_20 = tpu.memref_slice %arg8[%mul3A_12, %dma_start3A_19] : memref<10240x128xf32, #tpu.memory_space<vmem_shared>> -> memref<640x128xf32, #tpu.memory_space<vmem_shared>>
      tpu.enqueue_dma source(%dma_start3A_20 : memref<640x128xf32, #tpu.memory_space<vmem_shared>>) target(%dma_start3A_18 : memref<640x128xf32, #tpu.memory_space<hbm>>) target_semaphore(%run_scoped3A : memref<!tpu.dma_semaphore, #tpu.memory_space<semaphore_mem>>)
      %dma_wait3A = arith.constant 0 : i32
      %dma_wait3A_21 = tpu.memref_slice %arg5[%add3A_17, %dma_wait3A] : memref<20480x128xf32, #tpu.memory_space<hbm>> -> memref<640x128xf32, #tpu.memory_space<hbm>>
      %dma_wait3A_22 = arith.constant 0 : i32
      %dma_wait3A_23 = tpu.memref_slice %arg8[%mul3A_12, %dma_wait3A_22] : memref<10240x128xf32, #tpu.memory_space<vmem_shared>> -> memref<640x128xf32, #tpu.memory_space<vmem_shared>>
      tpu.wait_dma2 semaphore(%run_scoped3A : memref<!tpu.dma_semaphore, #tpu.memory_space<semaphore_mem>>) src(%dma_wait3A_23 : memref<640x128xf32, #tpu.memory_space<vmem_shared>>) dst(%dma_wait3A_21 : memref<640x128xf32, #tpu.memory_space<hbm>>)
      tpu.yield
    }) : () -> ()
    return
  }
}

#map = affine_map<(d0, d1) -> (0)>
#map1 = affine_map<(d0, d1) -> (0, 0)>
module attributes {stable_mosaic.version = 14 : i64} {
  func.func @_prop(%arg0: i32, %arg1: i32, %arg2: memref<640000xi32, #tpu.memory_space<hbm>>, %arg3: memref<640000xi32, #tpu.memory_space<hbm>>, %arg4: memref<20480x128xf32, #tpu.memory_space<hbm>>, %arg5: memref<640x128xf32, #tpu.memory_space<hbm>>, %arg6: memref<20480x128xf32, #tpu.memory_space<hbm>>, %arg7: memref<20000xi32, #tpu.memory_space<vmem>>, %arg8: memref<80xi32, #tpu.memory_space<vmem>>, %arg9: memref<80xi32, #tpu.memory_space<vmem>>, %arg10: memref<80x128xf32, #tpu.memory_space<vmem>>, %arg11: memref<80x128xf32, #tpu.memory_space<vmem>>, %arg12: memref<10240x128xf32, #tpu.memory_space<vmem_shared>>, %arg13: memref<!tpu.dma_semaphore, #tpu.memory_space<semaphore_mem>>, %arg14: memref<!tpu.dma_semaphore, #tpu.memory_space<semaphore_mem>>) attributes {dimension_semantics = [#tpu.dimension_semantics<core_parallel>, #tpu.dimension_semantics<subcore_parallel>], iteration_bounds = array<i64: 2, 16>, scalar_prefetch = 0 : i64, scratch_operands = 8 : i64, tpu.core_type = #tpu.core_type<sc_vector_subcore>, window_params = [{transform_indices = #map}, {transform_indices = #map}, {transform_indices = #map1}, {transform_indices = #map1}, {transform_indices = #map1}]} {
    %mul3A = arith.constant 320000 : i32
    %mul3A_0 = arith.muli %arg0, %mul3A : i32
    %mul3A_1 = arith.constant 20000 : i32
    %mul3A_2 = arith.muli %arg1, %mul3A_1 : i32
    %add3A = arith.addi %mul3A_0, %mul3A_2 : i32
    "tpu.region"() ({
      %run_scoped3A = tpu.sem_alloc : memref<!tpu.dma_semaphore, #tpu.memory_space<semaphore_mem>>
      %dma_start3A = tpu.memref_slice %arg2[%add3A] : memref<640000xi32, #tpu.memory_space<hbm>> -> memref<20000xi32, #tpu.memory_space<hbm>>
      %dma_start3A_18 = tpu.memref_slice %arg2[%add3A] : memref<640000xi32, #tpu.memory_space<hbm>> -> memref<20000xi32, #tpu.memory_space<hbm>>
      tpu.enqueue_dma source(%dma_start3A_18 : memref<20000xi32, #tpu.memory_space<hbm>>) target(%arg7 : memref<20000xi32, #tpu.memory_space<vmem>>) target_semaphore(%run_scoped3A : memref<!tpu.dma_semaphore, #tpu.memory_space<semaphore_mem>>)
      %dma_wait3A = tpu.memref_slice %arg2[%add3A] : memref<640000xi32, #tpu.memory_space<hbm>> -> memref<20000xi32, #tpu.memory_space<hbm>>
      %dma_wait3A_19 = tpu.memref_slice %arg2[%add3A] : memref<640000xi32, #tpu.memory_space<hbm>> -> memref<20000xi32, #tpu.memory_space<hbm>>
      tpu.wait_dma2 semaphore(%run_scoped3A : memref<!tpu.dma_semaphore, #tpu.memory_space<semaphore_mem>>) src(%dma_wait3A_19 : memref<20000xi32, #tpu.memory_space<hbm>>) dst(%arg7 : memref<20000xi32, #tpu.memory_space<vmem>>)
      tpu.yield
    }) : () -> ()
    %mul3A_3 = arith.constant 640 : i32
    %mul3A_4 = arith.muli %arg1, %mul3A_3 : i32
    "tpu.region"() ({
      %run_scoped3A = tpu.sem_alloc : memref<!tpu.dma_semaphore, #tpu.memory_space<semaphore_mem>>
      %dma_start3A = arith.constant 0 : i32
      %dma_start3A_18 = tpu.memref_slice %arg12[%mul3A_4, %dma_start3A] : memref<10240x128xf32, #tpu.memory_space<vmem_shared>> -> memref<640x128xf32, #tpu.memory_space<vmem_shared>>
      tpu.enqueue_dma source(%arg5 : memref<640x128xf32, #tpu.memory_space<hbm>>) target(%dma_start3A_18 : memref<640x128xf32, #tpu.memory_space<vmem_shared>>) target_semaphore(%run_scoped3A : memref<!tpu.dma_semaphore, #tpu.memory_space<semaphore_mem>>)
      %dma_wait3A = arith.constant 0 : i32
      %dma_wait3A_19 = tpu.memref_slice %arg12[%mul3A_4, %dma_wait3A] : memref<10240x128xf32, #tpu.memory_space<vmem_shared>> -> memref<640x128xf32, #tpu.memory_space<vmem_shared>>
      tpu.wait_dma2 semaphore(%run_scoped3A : memref<!tpu.dma_semaphore, #tpu.memory_space<semaphore_mem>>) src(%arg5 : memref<640x128xf32, #tpu.memory_space<hbm>>) dst(%dma_wait3A_19 : memref<640x128xf32, #tpu.memory_space<vmem_shared>>)
      tpu.yield
    }) : () -> ()
    %barrier3A = arith.constant 0 : index
    tpu.barrier barrier_id(%barrier3A)
    %scan3A = arith.constant 0 : i32
    %scan3A_5 = arith.constant 0 : i32
    %scan3A_6 = arith.constant 125 : i32
    %scan3A_7 = arith.addi %scan3A_5, %scan3A_6 : i32
    %scan3A_8 = arith.constant 1 : i32
    scf.for %scan3A_18 = %scan3A_5 to %scan3A_7 step %scan3A_8  : i32 {
      %mul3A_19 = arith.constant 2 : i32
      %mul3A_20 = arith.muli %mul3A_19, %scan3A_18 : i32
      %mul3A_21 = arith.constant 80 : i32
      %mul3A_22 = arith.muli %mul3A_20, %mul3A_21 : i32
      %mul3A_23 = arith.constant 2 : i32
      %mul3A_24 = arith.muli %mul3A_23, %scan3A_18 : i32
      %add3A_25 = arith.constant 1 : i32
      %add3A_26 = arith.addi %mul3A_24, %add3A_25 : i32
      %mul3A_27 = arith.constant 80 : i32
      %mul3A_28 = arith.muli %add3A_26, %mul3A_27 : i32
      %dma_start3A = tpu.memref_slice %arg7[%mul3A_22] : memref<20000xi32, #tpu.memory_space<vmem>> -> memref<80xi32, #tpu.memory_space<vmem>>
      %dma_start3A_29 = arith.constant 0 : i32
      %dma_start3A_30 = arith.constant 0 : i32
      %dma_start3A_31 = tpu.memref_slice %arg4[%dma_start3A_29, %dma_start3A_30] : memref<20480x128xf32, #tpu.memory_space<hbm>> -> memref<20480x128xf32, #tpu.memory_space<hbm>>
      tpu.enqueue_indirect_dma source(%dma_start3A_31 : memref<20480x128xf32, #tpu.memory_space<hbm>>) target(%arg10 : memref<80x128xf32, #tpu.memory_space<vmem>>) offsets(%dma_start3A : memref<80xi32, #tpu.memory_space<vmem>>) semaphore(%arg13 : memref<!tpu.dma_semaphore, #tpu.memory_space<semaphore_mem>>)
      %dma_start3A_32 = tpu.memref_slice %arg7[%mul3A_28] : memref<20000xi32, #tpu.memory_space<vmem>> -> memref<80xi32, #tpu.memory_space<vmem>>
      %dma_start3A_33 = arith.constant 0 : i32
      %dma_start3A_34 = arith.constant 0 : i32
      %dma_start3A_35 = tpu.memref_slice %arg4[%dma_start3A_33, %dma_start3A_34] : memref<20480x128xf32, #tpu.memory_space<hbm>> -> memref<20480x128xf32, #tpu.memory_space<hbm>>
      tpu.enqueue_indirect_dma source(%dma_start3A_35 : memref<20480x128xf32, #tpu.memory_space<hbm>>) target(%arg11 : memref<80x128xf32, #tpu.memory_space<vmem>>) offsets(%dma_start3A_32 : memref<80xi32, #tpu.memory_space<vmem>>) semaphore(%arg14 : memref<!tpu.dma_semaphore, #tpu.memory_space<semaphore_mem>>)
      %add3A_36 = arith.addi %add3A, %mul3A_22 : i32
      "tpu.region"() ({
        %run_scoped3A = tpu.sem_alloc : memref<!tpu.dma_semaphore, #tpu.memory_space<semaphore_mem>>
        %dma_start3A_45 = tpu.memref_slice %arg3[%add3A_36] : memref<640000xi32, #tpu.memory_space<hbm>> -> memref<80xi32, #tpu.memory_space<hbm>>
        %dma_start3A_46 = tpu.memref_slice %arg3[%add3A_36] : memref<640000xi32, #tpu.memory_space<hbm>> -> memref<80xi32, #tpu.memory_space<hbm>>
        tpu.enqueue_dma source(%dma_start3A_46 : memref<80xi32, #tpu.memory_space<hbm>>) target(%arg8 : memref<80xi32, #tpu.memory_space<vmem>>) target_semaphore(%run_scoped3A : memref<!tpu.dma_semaphore, #tpu.memory_space<semaphore_mem>>)
        %dma_wait3A_47 = tpu.memref_slice %arg3[%add3A_36] : memref<640000xi32, #tpu.memory_space<hbm>> -> memref<80xi32, #tpu.memory_space<hbm>>
        %dma_wait3A_48 = tpu.memref_slice %arg3[%add3A_36] : memref<640000xi32, #tpu.memory_space<hbm>> -> memref<80xi32, #tpu.memory_space<hbm>>
        tpu.wait_dma2 semaphore(%run_scoped3A : memref<!tpu.dma_semaphore, #tpu.memory_space<semaphore_mem>>) src(%dma_wait3A_48 : memref<80xi32, #tpu.memory_space<hbm>>) dst(%arg8 : memref<80xi32, #tpu.memory_space<vmem>>)
        tpu.yield
      }) : () -> ()
      %add3A_37 = arith.addi %add3A, %mul3A_28 : i32
      "tpu.region"() ({
        %run_scoped3A = tpu.sem_alloc : memref<!tpu.dma_semaphore, #tpu.memory_space<semaphore_mem>>
        %dma_start3A_45 = tpu.memref_slice %arg3[%add3A_37] : memref<640000xi32, #tpu.memory_space<hbm>> -> memref<80xi32, #tpu.memory_space<hbm>>
        %dma_start3A_46 = tpu.memref_slice %arg3[%add3A_37] : memref<640000xi32, #tpu.memory_space<hbm>> -> memref<80xi32, #tpu.memory_space<hbm>>
        tpu.enqueue_dma source(%dma_start3A_46 : memref<80xi32, #tpu.memory_space<hbm>>) target(%arg9 : memref<80xi32, #tpu.memory_space<vmem>>) target_semaphore(%run_scoped3A : memref<!tpu.dma_semaphore, #tpu.memory_space<semaphore_mem>>)
        %dma_wait3A_47 = tpu.memref_slice %arg3[%add3A_37] : memref<640000xi32, #tpu.memory_space<hbm>> -> memref<80xi32, #tpu.memory_space<hbm>>
        %dma_wait3A_48 = tpu.memref_slice %arg3[%add3A_37] : memref<640000xi32, #tpu.memory_space<hbm>> -> memref<80xi32, #tpu.memory_space<hbm>>
        tpu.wait_dma2 semaphore(%run_scoped3A : memref<!tpu.dma_semaphore, #tpu.memory_space<semaphore_mem>>) src(%dma_wait3A_48 : memref<80xi32, #tpu.memory_space<hbm>>) dst(%arg9 : memref<80xi32, #tpu.memory_space<vmem>>)
        tpu.yield
      }) : () -> ()
      %dma_wait3A = tpu.memref_slice %arg7[%mul3A_22] : memref<20000xi32, #tpu.memory_space<vmem>> -> memref<80xi32, #tpu.memory_space<vmem>>
      %dma_wait3A_38 = arith.constant 0 : i32
      %dma_wait3A_39 = arith.constant 0 : i32
      %dma_wait3A_40 = tpu.memref_slice %arg4[%dma_wait3A_38, %dma_wait3A_39] : memref<20480x128xf32, #tpu.memory_space<hbm>> -> memref<20480x128xf32, #tpu.memory_space<hbm>>
      tpu.wait_indirect_dma semaphore(%arg13 : memref<!tpu.dma_semaphore, #tpu.memory_space<semaphore_mem>>) src(%dma_wait3A_40 : memref<20480x128xf32, #tpu.memory_space<hbm>>) dst(%arg10 : memref<80x128xf32, #tpu.memory_space<vmem>>)
      "tpu.region"() ({
        %run_scoped3A = tpu.sem_alloc : memref<!tpu.dma_semaphore, #tpu.memory_space<semaphore_mem>>
        %dma_start3A_45 = arith.constant 0 : i32
        %dma_start3A_46 = arith.constant 0 : i32
        %dma_start3A_47 = tpu.memref_slice %arg12[%dma_start3A_45, %dma_start3A_46] : memref<10240x128xf32, #tpu.memory_space<vmem_shared>> -> memref<10240x128xf32, #tpu.memory_space<vmem_shared>>
        tpu.enqueue_indirect_dma source(%arg10 : memref<80x128xf32, #tpu.memory_space<vmem>>) target(%dma_start3A_47 : memref<10240x128xf32, #tpu.memory_space<vmem_shared>>) offsets(%arg8 : memref<80xi32, #tpu.memory_space<vmem>>) semaphore(%run_scoped3A : memref<!tpu.dma_semaphore, #tpu.memory_space<semaphore_mem>>) {add = true}
        %dma_wait3A_48 = arith.constant 0 : i32
        %dma_wait3A_49 = arith.constant 0 : i32
        %dma_wait3A_50 = tpu.memref_slice %arg12[%dma_wait3A_48, %dma_wait3A_49] : memref<10240x128xf32, #tpu.memory_space<vmem_shared>> -> memref<10240x128xf32, #tpu.memory_space<vmem_shared>>
        tpu.wait_indirect_dma semaphore(%run_scoped3A : memref<!tpu.dma_semaphore, #tpu.memory_space<semaphore_mem>>) src(%arg10 : memref<80x128xf32, #tpu.memory_space<vmem>>) dst(%dma_wait3A_50 : memref<10240x128xf32, #tpu.memory_space<vmem_shared>>)
        tpu.yield
      }) : () -> ()
      %dma_wait3A_41 = tpu.memref_slice %arg7[%mul3A_28] : memref<20000xi32, #tpu.memory_space<vmem>> -> memref<80xi32, #tpu.memory_space<vmem>>
      %dma_wait3A_42 = arith.constant 0 : i32
      %dma_wait3A_43 = arith.constant 0 : i32
      %dma_wait3A_44 = tpu.memref_slice %arg4[%dma_wait3A_42, %dma_wait3A_43] : memref<20480x128xf32, #tpu.memory_space<hbm>> -> memref<20480x128xf32, #tpu.memory_space<hbm>>
      tpu.wait_indirect_dma semaphore(%arg14 : memref<!tpu.dma_semaphore, #tpu.memory_space<semaphore_mem>>) src(%dma_wait3A_44 : memref<20480x128xf32, #tpu.memory_space<hbm>>) dst(%arg11 : memref<80x128xf32, #tpu.memory_space<vmem>>)
      "tpu.region"() ({
        %run_scoped3A = tpu.sem_alloc : memref<!tpu.dma_semaphore, #tpu.memory_space<semaphore_mem>>
        %dma_start3A_45 = arith.constant 0 : i32
        %dma_start3A_46 = arith.constant 0 : i32
        %dma_start3A_47 = tpu.memref_slice %arg12[%dma_start3A_45, %dma_start3A_46] : memref<10240x128xf32, #tpu.memory_space<vmem_shared>> -> memref<10240x128xf32, #tpu.memory_space<vmem_shared>>
        tpu.enqueue_indirect_dma source(%arg11 : memref<80x128xf32, #tpu.memory_space<vmem>>) target(%dma_start3A_47 : memref<10240x128xf32, #tpu.memory_space<vmem_shared>>) offsets(%arg9 : memref<80xi32, #tpu.memory_space<vmem>>) semaphore(%run_scoped3A : memref<!tpu.dma_semaphore, #tpu.memory_space<semaphore_mem>>) {add = true}
        %dma_wait3A_48 = arith.constant 0 : i32
        %dma_wait3A_49 = arith.constant 0 : i32
        %dma_wait3A_50 = tpu.memref_slice %arg12[%dma_wait3A_48, %dma_wait3A_49] : memref<10240x128xf32, #tpu.memory_space<vmem_shared>> -> memref<10240x128xf32, #tpu.memory_space<vmem_shared>>
        tpu.wait_indirect_dma semaphore(%run_scoped3A : memref<!tpu.dma_semaphore, #tpu.memory_space<semaphore_mem>>) src(%arg11 : memref<80x128xf32, #tpu.memory_space<vmem>>) dst(%dma_wait3A_50 : memref<10240x128xf32, #tpu.memory_space<vmem_shared>>)
        tpu.yield
      }) : () -> ()
    }
    %scan3A_9 = arith.constant 125 : i32
    %barrier3A_10 = arith.constant 0 : index
    tpu.barrier barrier_id(%barrier3A_10)
    %mul3A_11 = arith.constant 640 : i32
    %mul3A_12 = arith.muli %arg1, %mul3A_11 : i32
    %mul3A_13 = arith.constant 10240 : i32
    %mul3A_14 = arith.muli %arg0, %mul3A_13 : i32
    %mul3A_15 = arith.constant 640 : i32
    %mul3A_16 = arith.muli %arg1, %mul3A_15 : i32
    %add3A_17 = arith.addi %mul3A_14, %mul3A_16 : i32
    "tpu.region"() ({
      %run_scoped3A = tpu.sem_alloc : memref<!tpu.dma_semaphore, #tpu.memory_space<semaphore_mem>>
      %dma_start3A = arith.constant 0 : i32
      %dma_start3A_18 = tpu.memref_slice %arg6[%add3A_17, %dma_start3A] : memref<20480x128xf32, #tpu.memory_space<hbm>> -> memref<640x128xf32, #tpu.memory_space<hbm>>
      %dma_start3A_19 = arith.constant 0 : i32
      %dma_start3A_20 = tpu.memref_slice %arg12[%mul3A_12, %dma_start3A_19] : memref<10240x128xf32, #tpu.memory_space<vmem_shared>> -> memref<640x128xf32, #tpu.memory_space<vmem_shared>>
      tpu.enqueue_dma source(%dma_start3A_20 : memref<640x128xf32, #tpu.memory_space<vmem_shared>>) target(%dma_start3A_18 : memref<640x128xf32, #tpu.memory_space<hbm>>) target_semaphore(%run_scoped3A : memref<!tpu.dma_semaphore, #tpu.memory_space<semaphore_mem>>)
      %dma_wait3A = arith.constant 0 : i32
      %dma_wait3A_21 = tpu.memref_slice %arg6[%add3A_17, %dma_wait3A] : memref<20480x128xf32, #tpu.memory_space<hbm>> -> memref<640x128xf32, #tpu.memory_space<hbm>>
      %dma_wait3A_22 = arith.constant 0 : i32
      %dma_wait3A_23 = tpu.memref_slice %arg12[%mul3A_12, %dma_wait3A_22] : memref<10240x128xf32, #tpu.memory_space<vmem_shared>> -> memref<640x128xf32, #tpu.memory_space<vmem_shared>>
      tpu.wait_dma2 semaphore(%run_scoped3A : memref<!tpu.dma_semaphore, #tpu.memory_space<semaphore_mem>>) src(%dma_wait3A_23 : memref<640x128xf32, #tpu.memory_space<vmem_shared>>) dst(%dma_wait3A_21 : memref<640x128xf32, #tpu.memory_space<hbm>>)
      tpu.yield
    }) : () -> ()
    return
  }
}

module attributes {stable_mosaic.version = 14 : i64} {
  func.func @body(%arg0: i32, %arg1: memref<2048x128xf32, #tpu.memory_space<vmem>>, %arg2: memref<128x128xf32, #tpu.memory_space<vmem>>, %arg3: memref<2048x1xf32, #tpu.memory_space<vmem>>, %arg4: memref<2048x128xf32, #tpu.memory_space<vmem>>) attributes {dimension_semantics = [#tpu.dimension_semantics<arbitrary>], iteration_bounds = array<i64: 10>, scalar_prefetch = 0 : i64, scratch_operands = 0 : i64, tpu.core_type = #tpu.core_type<tc>, window_params = [{transform_indices = @transform_0, window_bounds = array<i64: 2048, 128>}, {pipeline_mode = #tpu.pipeline_mode<synchronous>, transform_indices = @transform_1, window_bounds = array<i64: 128, 128>}, {transform_indices = @transform_2, window_bounds = array<i64: 2048, 1>}, {transform_indices = @transform_3, window_bounds = array<i64: 2048, 128>}]} {
    %get3A = arith.constant 0 : index
    %get3A_0 = arith.constant 0 : index
    %get3A_1 = vector.load %arg3[%get3A, %get3A_0] : memref<2048x1xf32, #tpu.memory_space<vmem>>, vector<2048x1xf32>
    %get3A_2 = arith.constant 0 : index
    %get3A_3 = arith.constant 0 : index
    %get3A_4 = vector.load %arg1[%get3A_2, %get3A_3] : memref<2048x128xf32, #tpu.memory_space<vmem>>, vector<2048x128xf32>
    %get3A_5 = arith.constant 0 : index
    %get3A_6 = arith.constant 0 : index
    %get3A_7 = vector.load %arg2[%get3A_5, %get3A_6] : memref<128x128xf32, #tpu.memory_space<vmem>>, vector<128x128xf32>
    %dot_general3A = arith.constant dense<0.000000e+00> : vector<2048x128xf32>
    %dot_general3A_8 = tpu.matmul %get3A_4, %get3A_7, %dot_general3A {dimension_numbers = #tpu.dot_dimension_numbers<[1], [0], [0], [1], [0, 0, 1, 1], [], []>, transpose_lhs_hint = false} : vector<2048x128xf32>, vector<128x128xf32>, vector<2048x128xf32> -> vector<2048x128xf32>
    %mul3A = vector.broadcast %get3A_1 : vector<2048x1xf32> to vector<2048x128xf32>
    %mul3A_9 = arith.mulf %dot_general3A_8, %mul3A : vector<2048x128xf32>
    %swap3A = arith.constant 0 : index
    %swap3A_10 = arith.constant 0 : index
    %swap3A_11 = vector.load %arg4[%swap3A, %swap3A_10] : memref<2048x128xf32, #tpu.memory_space<vmem>>, vector<2048x128xf32>
    tpu.vector_store %arg4[%swap3A, %swap3A_10], %mul3A_9 {strides = array<i32>} : memref<2048x128xf32, #tpu.memory_space<vmem>>, vector<2048x128xf32>,
    return
  }
  func.func @transform_0(%arg0: i32) -> (i32, i32) {
    %c0_i32 = arith.constant 0 : i32
    %c0_i32_0 = arith.constant 0 : i32
    return %arg0, %c0_i32 : i32, i32
  }
  func.func @transform_1(%arg0: i32) -> (i32, i32) {
    %c0_i32 = arith.constant 0 : i32
    %c0_i32_0 = arith.constant 0 : i32
    %c0_i32_1 = arith.constant 0 : i32
    return %c0_i32, %c0_i32_0 : i32, i32
  }
  func.func @transform_2(%arg0: i32) -> (i32, i32) {
    %c0_i32 = arith.constant 0 : i32
    %c0_i32_0 = arith.constant 0 : i32
    return %arg0, %c0_i32 : i32, i32
  }
  func.func @transform_3(%arg0: i32) -> (i32, i32) {
    %c0_i32 = arith.constant 0 : i32
    %c0_i32_0 = arith.constant 0 : i32
    return %arg0, %c0_i32 : i32, i32
  }
}

module attributes {stable_mosaic.version = 14 : i64} {
  func.func @body(%arg0: i32, %arg1: memref<2048x128xf32, #tpu.memory_space<vmem>>, %arg2: memref<2048x128xf32, #tpu.memory_space<vmem>>, %arg3: memref<2048x1xf32, #tpu.memory_space<vmem>>, %arg4: memref<1x128xf32, #tpu.memory_space<vmem>>, %arg5: memref<128x128xf32, #tpu.memory_space<vmem>>, %arg6: memref<2048x128xf32, #tpu.memory_space<vmem>>) attributes {dimension_semantics = [#tpu.dimension_semantics<arbitrary>], iteration_bounds = array<i64: 10>, scalar_prefetch = 0 : i64, scratch_operands = 0 : i64, tpu.core_type = #tpu.core_type<tc>, window_params = [{transform_indices = @transform_0, window_bounds = array<i64: 2048, 128>}, {transform_indices = @transform_1, window_bounds = array<i64: 2048, 128>}, {transform_indices = @transform_2, window_bounds = array<i64: 2048, 1>}, {pipeline_mode = #tpu.pipeline_mode<synchronous>, transform_indices = @transform_3, window_bounds = array<i64: 1, 128>}, {pipeline_mode = #tpu.pipeline_mode<synchronous>, transform_indices = @transform_4, window_bounds = array<i64: 128, 128>}, {transform_indices = @transform_5, window_bounds = array<i64: 2048, 128>}]} {
    %get3A = arith.constant 0 : index
    %get3A_0 = arith.constant 0 : index
    %get3A_1 = vector.load %arg3[%get3A, %get3A_0] : memref<2048x1xf32, #tpu.memory_space<vmem>>, vector<2048x1xf32>
    %get3A_2 = arith.constant 0 : index
    %get3A_3 = arith.constant 0 : index
    %get3A_4 = vector.load %arg1[%get3A_2, %get3A_3] : memref<2048x128xf32, #tpu.memory_space<vmem>>, vector<2048x128xf32>
    %get3A_5 = arith.constant 0 : index
    %get3A_6 = arith.constant 0 : index
    %get3A_7 = vector.load %arg2[%get3A_5, %get3A_6] : memref<2048x128xf32, #tpu.memory_space<vmem>>, vector<2048x128xf32>
    %add3A = arith.addf %get3A_4, %get3A_7 : vector<2048x128xf32>
    %mul3A = vector.broadcast %get3A_1 : vector<2048x1xf32> to vector<2048x128xf32>
    %mul3A_8 = arith.mulf %mul3A, %add3A : vector<2048x128xf32>
    %get3A_9 = arith.constant 0 : index
    %get3A_10 = arith.constant 0 : index
    %get3A_11 = vector.load %arg4[%get3A_9, %get3A_10] : memref<1x128xf32, #tpu.memory_space<vmem>>, vector<1x128xf32>
    %add3A_12 = vector.broadcast %get3A_11 : vector<1x128xf32> to vector<2048x128xf32>
    %add3A_13 = arith.addf %mul3A_8, %add3A_12 : vector<2048x128xf32>
    %max3A = arith.constant 0.000000e+00 : f32
    %max3A_14 = vector.broadcast %max3A : f32 to vector<2048x128xf32>
    %max3A_15 = arith.maximumf %add3A_13, %max3A_14 : vector<2048x128xf32>
    %get3A_16 = arith.constant 0 : index
    %get3A_17 = arith.constant 0 : index
    %get3A_18 = vector.load %arg5[%get3A_16, %get3A_17] : memref<128x128xf32, #tpu.memory_space<vmem>>, vector<128x128xf32>
    %dot_general3A = arith.constant dense<0.000000e+00> : vector<2048x128xf32>
    %dot_general3A_19 = tpu.matmul %max3A_15, %get3A_18, %dot_general3A {dimension_numbers = #tpu.dot_dimension_numbers<[1], [0], [0], [1], [0, 0, 1, 1], [], []>, transpose_lhs_hint = false} : vector<2048x128xf32>, vector<128x128xf32>, vector<2048x128xf32> -> vector<2048x128xf32>
    %mul3A_20 = vector.broadcast %get3A_1 : vector<2048x1xf32> to vector<2048x128xf32>
    %mul3A_21 = arith.mulf %dot_general3A_19, %mul3A_20 : vector<2048x128xf32>
    %swap3A = arith.constant 0 : index
    %swap3A_22 = arith.constant 0 : index
    %swap3A_23 = vector.load %arg6[%swap3A, %swap3A_22] : memref<2048x128xf32, #tpu.memory_space<vmem>>, vector<2048x128xf32>
    tpu.vector_store %arg6[%swap3A, %swap3A_22], %mul3A_21 {strides = array<i32>} : memref<2048x128xf32, #tpu.memory_space<vmem>>, vector<2048x128xf32>,
    return
  }
  func.func @transform_0(%arg0: i32) -> (i32, i32) {
    %c0_i32 = arith.constant 0 : i32
    %c0_i32_0 = arith.constant 0 : i32
    return %arg0, %c0_i32 : i32, i32
  }
  func.func @transform_1(%arg0: i32) -> (i32, i32) {
    %c0_i32 = arith.constant 0 : i32
    %c0_i32_0 = arith.constant 0 : i32
    return %arg0, %c0_i32 : i32, i32
  }
  func.func @transform_2(%arg0: i32) -> (i32, i32) {
    %c0_i32 = arith.constant 0 : i32
    %c0_i32_0 = arith.constant 0 : i32
    return %arg0, %c0_i32 : i32, i32
  }
  func.func @transform_3(%arg0: i32) -> (i32, i32) {
    %c0_i32 = arith.constant 0 : i32
    %c0_i32_0 = arith.constant 0 : i32
    %c0_i32_1 = arith.constant 0 : i32
    return %c0_i32, %c0_i32_0 : i32, i32
  }
  func.func @transform_4(%arg0: i32) -> (i32, i32) {
    %c0_i32 = arith.constant 0 : i32
    %c0_i32_0 = arith.constant 0 : i32
    %c0_i32_1 = arith.constant 0 : i32
    return %c0_i32, %c0_i32_0 : i32, i32
  }
  func.func @transform_5(%arg0: i32) -> (i32, i32) {
    %c0_i32 = arith.constant 0 : i32
    %c0_i32_0 = arith.constant 0 : i32
    return %arg0, %c0_i32 : i32, i32
  }
}

module attributes {stable_mosaic.version = 14 : i64} {
  func.func @body(%arg0: memref<20480x32xf32, #tpu.memory_space<vmem>>, %arg1: memref<20480x32xf32, #tpu.memory_space<vmem>>, %arg2: memref<20480x1xf32, #tpu.memory_space<vmem>>, %arg3: memref<1x32xf32, #tpu.memory_space<vmem>>, %arg4: memref<32x32xf32, #tpu.memory_space<vmem>>, %arg5: memref<20480x32xf32, #tpu.memory_space<vmem>>, %arg6: memref<2x32xf32, #tpu.memory_space<vmem>>) attributes {dimension_semantics = [], scalar_prefetch = 0 : i64, scratch_operands = 0 : i64, tpu.core_type = #tpu.core_type<tc>} {
    %get3A = arith.constant 0 : index
    %get3A_0 = arith.constant 0 : index
    %get3A_1 = vector.load %arg2[%get3A, %get3A_0] : memref<20480x1xf32, #tpu.memory_space<vmem>>, vector<20480x1xf32>
    %get3A_2 = arith.constant 0 : index
    %get3A_3 = arith.constant 0 : index
    %get3A_4 = vector.load %arg0[%get3A_2, %get3A_3] : memref<20480x32xf32, #tpu.memory_space<vmem>>, vector<20480x32xf32>
    %get3A_5 = arith.constant 0 : index
    %get3A_6 = arith.constant 0 : index
    %get3A_7 = vector.load %arg1[%get3A_5, %get3A_6] : memref<20480x32xf32, #tpu.memory_space<vmem>>, vector<20480x32xf32>
    %add3A = arith.addf %get3A_4, %get3A_7 : vector<20480x32xf32>
    %mul3A = vector.broadcast %get3A_1 : vector<20480x1xf32> to vector<20480x32xf32>
    %mul3A_8 = arith.mulf %mul3A, %add3A : vector<20480x32xf32>
    %get3A_9 = arith.constant 0 : index
    %get3A_10 = arith.constant 0 : index
    %get3A_11 = vector.load %arg3[%get3A_9, %get3A_10] : memref<1x32xf32, #tpu.memory_space<vmem>>, vector<1x32xf32>
    %add3A_12 = vector.broadcast %get3A_11 : vector<1x32xf32> to vector<20480x32xf32>
    %add3A_13 = arith.addf %mul3A_8, %add3A_12 : vector<20480x32xf32>
    %swap3A = arith.constant 0 : index
    %swap3A_14 = arith.constant 0 : index
    %swap3A_15 = vector.load %arg5[%swap3A, %swap3A_14] : memref<20480x32xf32, #tpu.memory_space<vmem>>, vector<20480x32xf32>
    tpu.vector_store %arg5[%swap3A, %swap3A_14], %add3A_13 {strides = array<i32>} : memref<20480x32xf32, #tpu.memory_space<vmem>>, vector<20480x32xf32>,
    %slice3A = vector.extract_strided_slice %add3A_13 {offsets = [0, 0], sizes = [10000, 32], strides = [1, 1]} : vector<20480x32xf32> to vector<10000x32xf32>
    %reduce_sum3A = arith.constant dense<0.000000e+00> : vector<32xf32>
    %reduce_sum3A_16 = vector.multi_reduction <add>, %slice3A, %reduce_sum3A [0] : vector<10000x32xf32> to vector<32xf32>
    %broadcast_in_dim3A = vector.shape_cast %reduce_sum3A_16 : vector<32xf32> to vector<1x32xf32>
    %mul3A_17 = arith.constant 9.99999974E-5 : f32
    %mul3A_18 = vector.broadcast %mul3A_17 : f32 to vector<1x32xf32>
    %mul3A_19 = arith.mulf %broadcast_in_dim3A, %mul3A_18 : vector<1x32xf32>
    %slice3A_20 = vector.extract_strided_slice %add3A_13 {offsets = [10240, 0], sizes = [10000, 32], strides = [1, 1]} : vector<20480x32xf32> to vector<10000x32xf32>
    %reduce_sum3A_21 = arith.constant dense<0.000000e+00> : vector<32xf32>
    %reduce_sum3A_22 = vector.multi_reduction <add>, %slice3A_20, %reduce_sum3A_21 [0] : vector<10000x32xf32> to vector<32xf32>
    %broadcast_in_dim3A_23 = vector.shape_cast %reduce_sum3A_22 : vector<32xf32> to vector<1x32xf32>
    %mul3A_24 = arith.constant 9.99999974E-5 : f32
    %mul3A_25 = vector.broadcast %mul3A_24 : f32 to vector<1x32xf32>
    %mul3A_26 = arith.mulf %broadcast_in_dim3A_23, %mul3A_25 : vector<1x32xf32>
    %get3A_27 = arith.constant 0 : index
    %get3A_28 = arith.constant 0 : index
    %get3A_29 = vector.load %arg4[%get3A_27, %get3A_28] : memref<32x32xf32, #tpu.memory_space<vmem>>, vector<32x32xf32>
    %dot_general3A = arith.constant dense<0.000000e+00> : vector<1x32xf32>
    %dot_general3A_30 = tpu.matmul %mul3A_19, %get3A_29, %dot_general3A {dimension_numbers = #tpu.dot_dimension_numbers<[1], [0], [0], [1], [0, 0, 1, 1], [], []>, transpose_lhs_hint = false} : vector<1x32xf32>, vector<32x32xf32>, vector<1x32xf32> -> vector<1x32xf32>
    %get3A_31 = arith.constant 0 : index
    %get3A_32 = arith.constant 0 : index
    %get3A_33 = vector.load %arg4[%get3A_31, %get3A_32] : memref<32x32xf32, #tpu.memory_space<vmem>>, vector<32x32xf32>
    %dot_general3A_34 = arith.constant dense<0.000000e+00> : vector<1x32xf32>
    %dot_general3A_35 = tpu.matmul %mul3A_26, %get3A_33, %dot_general3A_34 {dimension_numbers = #tpu.dot_dimension_numbers<[1], [0], [0], [1], [0, 0, 1, 1], [], []>, transpose_lhs_hint = false} : vector<1x32xf32>, vector<32x32xf32>, vector<1x32xf32> -> vector<1x32xf32>
    %concatenate3A = tpu.concatenate %dot_general3A_30, %dot_general3A_35 in 0 : vector<1x32xf32>, vector<1x32xf32> -> vector<2x32xf32>
    %swap3A_36 = arith.constant 0 : index
    %swap3A_37 = arith.constant 0 : index
    %swap3A_38 = vector.load %arg6[%swap3A_36, %swap3A_37] : memref<2x32xf32, #tpu.memory_space<vmem>>, vector<2x32xf32>
    tpu.vector_store %arg6[%swap3A_36, %swap3A_37], %concatenate3A {strides = array<i32>} : memref<2x32xf32, #tpu.memory_space<vmem>>, vector<2x32xf32>,
    return
  }
}

module attributes {stable_mosaic.version = 14 : i64} {
  func.func @body(%arg0: memref<20480x32xf32, #tpu.memory_space<vmem>>, %arg1: memref<2x32xf32, #tpu.memory_space<vmem>>, %arg2: memref<20480x1xf32, #tpu.memory_space<vmem>>) attributes {dimension_semantics = [], scalar_prefetch = 0 : i64, scratch_operands = 0 : i64, tpu.core_type = #tpu.core_type<tc>} {
    %get3A = arith.constant 0 : index
    %get3A_0 = arith.constant 0 : index
    %get3A_1 = vector.load %arg0[%get3A, %get3A_0] : memref<20480x32xf32, #tpu.memory_space<vmem>>, vector<20480x32xf32>
    %broadcast_in_dim3A = arith.constant 0.000000e+00 : f32
    %broadcast_in_dim3A_2 = vector.broadcast %broadcast_in_dim3A : f32 to vector<20480x1xf32>
    %swap3A = arith.constant 0 : index
    %swap3A_3 = arith.constant 0 : index
    %swap3A_4 = vector.load %arg2[%swap3A, %swap3A_3] : memref<20480x1xf32, #tpu.memory_space<vmem>>, vector<20480x1xf32>
    tpu.vector_store %arg2[%swap3A, %swap3A_3], %broadcast_in_dim3A_2 {strides = array<i32>} : memref<20480x1xf32, #tpu.memory_space<vmem>>, vector<20480x1xf32>,
    %slice3A = vector.extract_strided_slice %get3A_1 {offsets = [0, 0], sizes = [10000, 32], strides = [1, 1]} : vector<20480x32xf32> to vector<10000x32xf32>
    %get3A_5 = arith.constant 0 : index
    %get3A_6 = arith.constant 0 : index
    %get3A_7 = vector.load %arg1[%get3A_5, %get3A_6] : memref<2x32xf32, #tpu.memory_space<vmem>>, vector<1x32xf32>
    %dot_general3A = arith.constant dense<0.000000e+00> : vector<10000x1xf32>
    %dot_general3A_8 = tpu.matmul %slice3A, %get3A_7, %dot_general3A {dimension_numbers = #tpu.dot_dimension_numbers<[1], [1], [0], [0], [0, 0, 1, 0], [], []>, transpose_lhs_hint = false} : vector<10000x32xf32>, vector<1x32xf32>, vector<10000x1xf32> -> vector<10000x1xf32>
    %swap3A_9 = arith.constant 0 : index
    %swap3A_10 = arith.constant 0 : index
    %swap3A_11 = vector.load %arg2[%swap3A_9, %swap3A_10] : memref<20480x1xf32, #tpu.memory_space<vmem>>, vector<10000x1xf32>
    tpu.vector_store %arg2[%swap3A_9, %swap3A_10], %dot_general3A_8 {strides = array<i32>} : memref<20480x1xf32, #tpu.memory_space<vmem>>, vector<10000x1xf32>,
    %slice3A_12 = vector.extract_strided_slice %get3A_1 {offsets = [10240, 0], sizes = [10000, 32], strides = [1, 1]} : vector<20480x32xf32> to vector<10000x32xf32>
    %get3A_13 = arith.constant 1 : index
    %get3A_14 = arith.constant 0 : index
    %get3A_15 = vector.load %arg1[%get3A_13, %get3A_14] : memref<2x32xf32, #tpu.memory_space<vmem>>, vector<1x32xf32>
    %dot_general3A_16 = arith.constant dense<0.000000e+00> : vector<10000x1xf32>
    %dot_general3A_17 = tpu.matmul %slice3A_12, %get3A_15, %dot_general3A_16 {dimension_numbers = #tpu.dot_dimension_numbers<[1], [1], [0], [0], [0, 0, 1, 0], [], []>, transpose_lhs_hint = false} : vector<10000x32xf32>, vector<1x32xf32>, vector<10000x1xf32> -> vector<10000x1xf32>
    %swap3A_18 = arith.constant 10240 : index
    %swap3A_19 = arith.constant 0 : index
    %swap3A_20 = vector.load %arg2[%swap3A_18, %swap3A_19] : memref<20480x1xf32, #tpu.memory_space<vmem>>, vector<10000x1xf32>
    tpu.vector_store %arg2[%swap3A_18, %swap3A_19], %dot_general3A_17 {strides = array<i32>} : memref<20480x1xf32, #tpu.memory_space<vmem>>, vector<10000x1xf32>,
    return
  }
}

module attributes {stable_mosaic.version = 14 : i64} {
  func.func @body(%arg0: memref<20480x32xf32, #tpu.memory_space<vmem>>, %arg1: memref<20480x1xf32, #tpu.memory_space<vmem>>, %arg2: memref<64x1xf32, #tpu.memory_space<vmem>>) attributes {dimension_semantics = [], scalar_prefetch = 0 : i64, scratch_operands = 0 : i64, tpu.core_type = #tpu.core_type<tc>} {
    %get3A = arith.constant 0 : index
    %get3A_0 = arith.constant 0 : index
    %get3A_1 = vector.load %arg0[%get3A, %get3A_0] : memref<20480x32xf32, #tpu.memory_space<vmem>>, vector<20480x32xf32>
    %get3A_2 = arith.constant 0 : index
    %get3A_3 = arith.constant 0 : index
    %get3A_4 = vector.load %arg1[%get3A_2, %get3A_3] : memref<20480x1xf32, #tpu.memory_space<vmem>>, vector<20480x1xf32>
    %slice3A = vector.extract_strided_slice %get3A_1 {offsets = [0, 0], sizes = [10000, 32], strides = [1, 1]} : vector<20480x32xf32> to vector<10000x32xf32>
    %slice3A_5 = vector.extract_strided_slice %get3A_4 {offsets = [0, 0], sizes = [10000, 1], strides = [1, 1]} : vector<20480x1xf32> to vector<10000x1xf32>
    %dot_general3A = arith.constant dense<0.000000e+00> : vector<32x1xf32>
    %dot_general3A_6 = tpu.matmul %slice3A, %slice3A_5, %dot_general3A {dimension_numbers = #tpu.dot_dimension_numbers<[0], [0], [1], [1], [0, 1, 1, 1], [], []>, transpose_lhs_hint = false} : vector<10000x32xf32>, vector<10000x1xf32>, vector<32x1xf32> -> vector<32x1xf32>
    %slice3A_7 = vector.extract_strided_slice %get3A_1 {offsets = [10240, 0], sizes = [10000, 32], strides = [1, 1]} : vector<20480x32xf32> to vector<10000x32xf32>
    %slice3A_8 = vector.extract_strided_slice %get3A_4 {offsets = [10240, 0], sizes = [10000, 1], strides = [1, 1]} : vector<20480x1xf32> to vector<10000x1xf32>
    %dot_general3A_9 = arith.constant dense<0.000000e+00> : vector<32x1xf32>
    %dot_general3A_10 = tpu.matmul %slice3A_7, %slice3A_8, %dot_general3A_9 {dimension_numbers = #tpu.dot_dimension_numbers<[0], [0], [1], [1], [0, 1, 1, 1], [], []>, transpose_lhs_hint = false} : vector<10000x32xf32>, vector<10000x1xf32>, vector<32x1xf32> -> vector<32x1xf32>
    %concatenate3A = tpu.concatenate %dot_general3A_6, %dot_general3A_10 in 0 : vector<32x1xf32>, vector<32x1xf32> -> vector<64x1xf32>
    %swap3A = arith.constant 0 : index
    %swap3A_11 = arith.constant 0 : index
    %swap3A_12 = vector.load %arg2[%swap3A, %swap3A_11] : memref<64x1xf32, #tpu.memory_space<vmem>>, vector<64x1xf32>
    tpu.vector_store %arg2[%swap3A, %swap3A_11], %concatenate3A {strides = array<i32>} : memref<64x1xf32, #tpu.memory_space<vmem>>, vector<64x1xf32>,
    return
  }
}

</mosaic_0001>

<sc_bundles>
// kernel: kernel.12.cloned.1.call-start
scs
__scs_entry_jumppad:
0x0: {  	(pc) =	sbr.rel $0x88, $3  }
0x1: {  	(tag) =	ssettag $0x0;
	lr =	simm.s32 $0x1  }
0x2: {  	[smem:$0x3F8F] =	sst lr;
	_ =	strace $0xD0000000  }
0x3: {  	_ = 	snop  }
0x4: {  	_ = 	snop  }
0x5: {  	_ = 	snop  }
0x6: {  	_ = 	snop  }
0x7: {  	_ = 	snop  }
__scs_overlays_trampoline_lowered:
0x8: {  	[smem:$0x3F9E] =	sst s0  }
0x9: {  	[smem:$0x3F9F] =	sst s1  }
0xa: {  	[smem:$0x3FA0] =	sst s2  }
0xb: {  	[smem:$0x3FA1] =	sst s3  }
0xc: {  	[smem:$0x3FA2] =	sst s4  }
0xd: {  	[smem:$0x3FA3] =	sst s5  }
0xe: {  	[smem:$0x3FA4] =	sst s6  }
0xf: {  	[smem:$0x3FA5] =	sst s7  }
0x10: {  	[smem:$0x3FA6] =	sst s8  }
0x11: {  	[smem:$0x3FA7] =	sst s9;
	s0 =	simm.s32 @!p0 $0x0  }
0x12: {  	s1 =	sld [smem:$0x3F8D];
	s0 =	simm.s32 @p0 $0x1  }
0x13: {  	[smem:$0x3FA8] =	sst s0;
	s0 =	simm.s32 @!p1 $0x0  }
0x14: {  	s2 =	sld [smem:$0x3F8C];
	s0 =	simm.s32 @p1 $0x1  }
0x15: {  	[smem:$0x3FA9] =	sst s0;
	s0 =	simm.s32 @!p2 $0x0  }
0x16: {  	s3 =	sld [smem:$0x3FDB];
	s0 =	simm.s32 @p2 $0x1  }
0x17: {  	s4 =	simm.s32 $0x1BF5;
	[smem:$0x3FAB] =	sst s0  }
0x18: {  	s0 =	sld [smem:$0x3F8E];
	_ =	swait.ge [sflag:s4], $0x0  }
0x19: {  	s7 =	sld [smem:$0x3F8F]  }
0x1a: {  	s8 =	sadd.s32 $0xFFFFE003, lr  }
0x1b: {  	s9 =	sadd.s32 $0xFFFFFEF7, lr;
	s5 =	simm.s32 $0xFFFFFFFF;
	p2 =	slt.u32 s8, $0xFFFFF086  }
0x1c: {  	p1 =	slt.u32 s9, $0xF7A;
	s5 =	simm.s32 @!p2 $0x0  }
0x1d: {  	s5 =	simm.s32 @p1 $0x1;
	p0 =	seq.s32 s7, s2  }
0x1e: {  	s7 =	smul.u32 @!p0 $0xF7A, s2;
	p2 =	seq.s32 @!p0 s5, $0x0  }
0x1f: {  	s9 =	smul.u32 $0xF7A, s1;
	s8 =	simm.s32 @!p0 $0x1BF5;
	p2 =	por !p2, p0  }
0x20: {  	[sflag:s8] =	ssyncset.s32 @!p0 $0xFFFFF086;
	s6 =	sadd.s32 @!p0 s3, s7;
	s7 =	simm.s32 @!p0 $0x108  }
0x21: {  	s3 =	sadd.s32 s3, s9;
	s6 =	sadd.s32 @!p0 $0x88, s6;
	s7 =	simm.s32 @p2 $0x1082  }
0x22: {  	[simem:s7], [sflag:s8] =	dma.local @!p0 [hbm:s6], $0xF7A  }
0x23: {  	s9 =	sor.u32 $0xD0000000, s2;
	s6 =	simm.s32 $0x108;
	_ =	swait.ge @!p0 [sflag:s8], $0x0  }
0x24: {  	s3 =	sadd.s32 $0x88, s3;
	s6 =	simm.s32 @!p1 $0x1082;
	[sflag:s4] =	ssyncset.s32 $0xFFFFF086  }
0x25: {  	[simem:s6], [sflag:s4] =	dma.local [hbm:s3], $0xF7A  }
0x26: {  	[smem:$0x3F8F] =	sst s1;
	(tag) =	ssettag s2;
	_ =	strace s9  }
0x27: {  	s1 =	sld [smem:$0x3F9F]  }
0x28: {  	s2 =	sld [smem:$0x3FA0]  }
0x29: {  	s4 =	sld [smem:$0x3FA2]  }
0x2a: {  	p0 =	seq.s32 s5, $0x0;
	s5 =	sld [smem:$0x3FA3]  }
0x2b: {  	s6 =	sld [smem:$0x3FA4]  }
0x2c: {  	s7 =	sld [smem:$0x3FA5]  }
0x2d: {  	s3 =	simm.s32 $0x108;
	s8 =	sld [smem:$0x3FA6]  }
0x2e: {  	s3 =	simm.s32 @!p0 $0x1082;
	s9 =	sld [smem:$0x3FA7]  }
0x2f: {  	lr =	sadd.s32 s0, s3;
	s0 =	sld [smem:$0x3F9E]  }
0x30: {  	s3 =	sld [smem:$0x3FA1]  }
0x31: {  	[smem:$0x3FAA] =	sst s10  }
0x32: {  	s10 =	sld [smem:$0x3FA8];
	_ =	sdelay $0x3  }
0x33: {  	p0 =	seq.s32 s10, $0x1;
	s10 =	sld [smem:$0x3FAA];
	_ =	sdelay $0x3  }
0x34: {  	[smem:$0x3FAA] =	sst s10  }
0x35: {  	s10 =	sld [smem:$0x3FA9];
	_ =	sdelay $0x3  }
0x36: {  	p1 =	seq.s32 s10, $0x1;
	s10 =	sld [smem:$0x3FAA];
	_ =	sdelay $0x3  }
0x37: {  	[smem:$0x3FAA] =	sst s10  }
0x38: {  	s10 =	sld [smem:$0x3FAB]  }
0x39: {  	_ = 	snop;
	(pc) =	sbr.ind lr, $3  }
0x3a: {  	_ = 	snop  }
0x3b: {  	_ = 	snop  }
0x3c: {  	p2 =	seq.s32 s10, $0x1;
	s10 =	sld [smem:$0x3FAA]  }
0x3d: {  	_ =	shalt  }
0x3e: {  	_ =	shalt  }
0x3f: {  	_ =	shalt  }
0x40: {  	_ =	shalt  }
0x41: {  	_ =	shalt  }
0x42: {  	_ =	shalt  }
0x43: {  	_ =	shalt  }
0x44: {  	_ =	shalt  }
0x45: {  	_ =	shalt  }
0x46: {  	_ =	shalt  }
0x47: {  	_ =	shalt  }
0x48: {  	_ =	shalt  }
0x49: {  	_ =	shalt  }
0x4a: {  	_ =	shalt  }
0x4b: {  	_ =	shalt  }
0x4c: {  	_ =	shalt  }
0x4d: {  	_ =	shalt  }
0x4e: {  	_ =	shalt  }
0x4f: {  	_ =	shalt  }
0x50: {  	_ =	shalt  }
0x51: {  	_ =	shalt  }
0x52: {  	_ =	shalt  }
0x53: {  	_ =	shalt  }
0x54: {  	_ =	shalt  }
0x55: {  	_ =	shalt  }
0x56: {  	_ =	shalt  }
0x57: {  	_ =	shalt  }
0x58: {  	_ =	shalt  }
0x59: {  	_ =	shalt  }
0x5a: {  	_ =	shalt  }
0x5b: {  	_ =	shalt  }
0x5c: {  	_ =	shalt  }
0x5d: {  	_ =	shalt  }
0x5e: {  	_ =	shalt  }
0x5f: {  	_ =	shalt  }
0x60: {  	_ =	shalt  }
0x61: {  	_ =	shalt  }
0x62: {  	_ =	shalt  }
0x63: {  	_ =	shalt  }
0x64: {  	_ =	shalt  }
0x65: {  	_ =	shalt  }
0x66: {  	_ =	shalt  }
0x67: {  	_ =	shalt  }
0x68: {  	_ =	shalt  }
0x69: {  	_ =	shalt  }
0x6a: {  	_ =	shalt  }
0x6b: {  	_ =	shalt  }
0x6c: {  	_ =	shalt  }
0x6d: {  	_ =	shalt  }
0x6e: {  	_ =	shalt  }
0x6f: {  	_ =	shalt  }
0x70: {  	_ =	shalt  }
0x71: {  	_ =	shalt  }
0x72: {  	_ =	shalt  }
0x73: {  	_ =	shalt  }
0x74: {  	_ =	shalt  }
0x75: {  	_ =	shalt  }
0x76: {  	_ =	shalt  }
0x77: {  	_ =	shalt  }
0x78: {  	_ =	shalt  }
0x79: {  	_ =	shalt  }
0x7a: {  	_ =	shalt  }
0x7b: {  	_ =	shalt  }
0x7c: {  	_ =	shalt  }
0x7d: {  	_ =	shalt  }
0x7e: {  	_ =	shalt  }
0x7f: {  	_ =	shalt  }
0x80: {  	_ =	shalt  }
0x81: {  	_ =	shalt  }
0x82: {  	_ =	shalt  }
0x83: {  	_ =	shalt  }
0x84: {  	_ =	shalt  }
0x85: {  	_ =	shalt  }
0x86: {  	_ =	shalt  }
0x87: {  	_ =	shalt  }
.Lfunc_end0:
.L_simem_size_0:
called_computation_lowered:
.L_overlay_start_0:
0x88: {  	s2 =	sld [smem:$0x3FD9]  }
0x89: {  	s3 =	sld [smem:$0x3FFE];
	_ =	sdelay $0x1  }
0x8a: {  	s1 =	srdreg.scid  }
0x8b: {  	s0 =	sand.u32 $0x1, s1  }
0x8c: {  	s16 =	sshll.u32 s0, $0xA;
	s2 =	sadd.s32 s3, s2  }
0x8d: {  	s2 =	sadd.s32 s2, s16  }
0x8e: {  	[smem:$0x3FB6] =	sst s2  }
0x8f: {  	_ = 	snop  }
0x90: {  	(tm) =	ssettm $0x1  }
0x91: {  	s17 =	sld [smem:$0x3FFB];
	_ =	sdelay $0x3  }
0x92: {  	_ =	strace s17  }
0x93: {  	s2 =	sld [smem:$0x3FFC];
	_ =	sdelay $0x3  }
0x94: {  	_ =	strace s2  }
0x95: {  	s2 =	sld [smem:$0x3FFD];
	_ =	sdelay $0x3  }
0x96: {  	_ =	strace s2  }
0x97: {  	_ =	strace $0x8FFFFFFF  }
0x98: {  	s18 =	sld [smem:$0x3FDB];
	_ =	sdelay $0x1  }
0x99: {  	s19 =	simm.s32 $_scs_section_size  }
0x9a: {  	s4 =	simm.s32 $_size__tile_overlayer_lowered;
	s5 =	simm.s32 $_tile_overlayer_lowered  }
0x9b: {  	s22 =	simm.s32 $0x1BFF;
	s21 =	sshll.u32 s5, $0x1;
	s2 =	sadd.s32 s19, s18  }
0x9c: {  	s6 =	simm.s32 $0x0;
	s20 =	sshll.u32 s4, $0x1;
	s4 =	sadd.s32 s21, s2  }
0x9d: {  	[timem:s6], [sflag:s22] =	dma.local [hbm:s4], s20  }
0x9e: {  	_ =	swait.ge [sflag:s22], s20  }
0x9f: {  	s3 =	ssub.s32 $0x0, s20;
	[sflag:s22] =	ssyncset.done $0x0  }
0xa0: {  	[sflag:s22] =	ssyncadd.s32 s3;
	_ =	sdelay $0x1  }
0xa1: {  	s23 =	simm.s32 $0x1B8B  }
0xa2: {  	_ =	swait.ge [sflag:s23], $0x1  }
0xa3: {  	[sflag:s23] =	ssyncset.done $0x0  }
0xa4: {  	s25 =	simm.s32 $0x1B8E;
	s24 =	sld [smem:$0x3FFE];
	[sflag:s23] =	ssyncadd.s32 $0xFFFFFFFF  }
0xa5: {  	s26 =	simm.s32 $execute0_lowered;
	[smem:$0x3FD2] =	sst s25  }
0xa6: {  	s4 =	sshll.u32 s26, $0x1;
	_ =	strace $0x80000046;
	[dreg:$0x1] =	wrdreg $0xFFFFFFFF  }
0xa7: {  	s28 =	simm.s32 $_size_execute0_lowered;
	s2 =	sadd.s32 s2, s4;
	[dreg:$0x0] =	wrdreg $0x0  }
0xa8: {  	s4 =	sshll.u32 s28, $0x1;
	[dreg:$0x2] =	wrdreg s2  }
0xa9: {  	[dreg:$0x3] =	wrdreg s4  }
0xaa: {  	[dreg:$0x4] =	wrdreg $0xC0  }
0xab: {  	_ =	task [dreg:s6], $0x5FFFF  }
0xac: {  	[dreg:$0x1] =	wrdreg $0xFFFFFFFF  }
0xad: {  	[dreg:$0x0] =	wrdreg $0x60  }
0xae: {  	[dreg:$0x2] =	wrdreg s24  }
0xaf: {  	[dreg:$0x3] =	wrdreg $0x28800  }
0xb0: {  	[dreg:$0x4] =	wrdreg $0x9  }
0xb1: {  	_ =	task.clear_ibuf [dreg:s6], $0x5FFFF;
	_ =	strace $0x90000046  }
0xb2: {  	s29 =	simm.s32 $0x9;
	_ =	strace $0x80000048  }
0xb3: {  	_ =	swait.ge [sflag:s29], $0x1  }
0xb4: {  	[sflag:s29] =	ssyncadd.s32 $0xFFFFFFFF  }
0xb5: {  	_ =	strace $0x90000048  }
0xb6: {  	_ =	sfence  }
0xb7: {  	s30 =	sld [smem:$0x0];
	_ =	sdelay $0x2  }
0xb8: {  	s31 =	sshll.u32 s1, $0xD;
	s1 =	sshrl.u32 s1, $0x2  }
0xb9: {  	s3 =	sand.u32 $0x4000, s31;
	s1 =	sadd.s32 s1, s30  }
0xba: {  	s0 =	sor.u32 s3, s0;
	s1 =	sshll.u32 s1, $0x11  }
0xbb: {  	s0 =	sor.u32 s1, s0  }
0xbc: {  	s0 =	sadd.s32 $0x8F2B, s0  }
0xbd: {  	[sflag:s0] =	ssyncadd.remote.s32 $0x1  }
0xbe: {  	_ =	sfence.sel $0xFFFF  }
0xbf: {  	[dreg:$0x0] =	wrdreg $0xFFFFFFFF;
	(pc) =	sbr.abs _section_cstart, $3  }
0xc0: {  	[dreg:$0x1] =	wrdreg $0xFFFFFFFF  }
0xc1: {  	_ =	task.clear_ibuf [dreg:s6], $0x2FFFF;
	_ =	strace $0x9FFFFFFF  }
0xc2: {  	(tm) =	ssettm $0x7FFFFFFF  }
0xc3: {  	_ =	shalt  }
tec
execute0_lowered:
.L_overlay_start_1:
0x0: {  	(tag) =	ssettag $0x1  }
0x1: {  	s0 =	srdreg.scid;
	s6 =	rddreg [dreg:$0x0]  }
0x2: {  	s2 =	rddreg [dreg:$0x1];
	s7 =	sand.u32 $0x1, s0  }
0x3: {  	s0 =	stileid.u32;
	s4 =	smul.u32 $0x4E200, s7  }
0x4: {  	s1 =	rddreg [dreg:$0x2];
	s3 =	simm.s32 $0x0;
	s5 =	smul.u32 $0x4E20, s0  }
0x5: {  	s13 =	simm.s32 $0x50;
	[smem:$0x7FF] =	sst s3;
	s8 =	smul.u32 $0x2800, s0  }
0x6: {  	s14 =	simm.s32 $0x0;
	_ =	strace $0x80000047;
	s9 =	smul.u32 $0x28000, s7  }
0x7: {  	s11 =	smul.u32 $0x50000, s0;
	s7 =	ssub.s32 $0x2, s7;
	s31 =	sshll.u32 s0, $0x6  }
0x8: {  	s29 =	sshrl.u32 s7, $0x1;
	s4 =	sadd.s32 s5, s4;
	s5 =	sadd.s32 $0x29200, s6  }
0x9: {  	s8 =	sadd.s32 s8, s9;
	s30 =	sshrl.u32 s11, $0x2;
	s7 =	ssub.s32 s7, s29  }
0xa: {  	s9 =	simm.s32 $0x80;
	s11 =	sor.u32 $0x1C01, s31;
	s4 =	sshrl.u32 s4, $0x3  }
0xb: {  	s12 =	sadd.s32 s30, s2;
	s7 =	smax.u32 s7, $0x1;
	s10 =	sadd.s32 s4, s6  }
0xc: {  	s4 =	sadd.s32 $0x2BA00, s6;
	s6 =	sadd.s32 s8, s6;
	s12 =	sshrl.u32 s12, $0x3  }
0xd: {  	s6 =	sadd.s32 $0x2C000, s6;
	s8 =	sadd.s32 $0x15800, s10;
	s10 =	simm.s32 $0x1  }
.LBB2_1:
0xe: {  	[tilespmem:s9], [sflag:$0x1] =	stream.linear.gather [hbm4b:s4+s3], $0x2800, $0x38;
	[tilespmem:$0x16880] =	vst v63  }
0xf: {  	_ =	swait.ge [sflag:s10], $0x2800  }
0x10: {  	[sflag:s10] =	ssyncset.done $0x0  }
0x11: {  	[sflag:s10] =	ssyncadd.s32 $0xFFFFD800  }
0x12: {  	[spmem:s12], [sflag:s11] =	dma.local [hbm:s5], $0x2800  }
0x13: {  	_ =	swait.ge [sflag:s10], $0x2800  }
0x14: {  	[sflag:s10] =	ssyncset.done $0x0  }
0x15: {  	[sflag:s10] =	ssyncadd.s32 $0xFFFFD800  }
0x16: {  	s15 =	sadd.s32 $0x0, s8;
	[bflag:$0x0] =	sbarrier.arrive $0xFFFF  }
0x17: {  	[tilespmem:s3], [sflag:$0x1] =	stream.linear.gather [hbm4b:s15+s3], $0x50, $0x38;
	[tilespmem:$0x16880] =	vst v63  }
0x18: {  	_ =	swait.ge [sflag:s10], $0x50  }
0x19: {  	[sflag:s10] =	ssyncset.done $0x0  }
0x1a: {  	[sflag:s10] =	ssyncadd.s32 $0xFFFFFFB0  }
0x1b: {  	[spmem:s2] =	stream.indirect.scatter.add.f32 [tilespmem:s9], [sflag:$0x1], $0x80, s3, s13, $0xb8;
	[tilespmem:$0x16880] =	vst v63  }
0x1c: {  	_ =	swait.ge [sflag:s10], $0x2800  }
0x1d: {  	s16 =	simm.s32 $0x14;
	s15 =	simm.s32 $0xA;
	[sflag:s10] =	ssyncset.done $0x0  }
.LBB2_2:
0x1e: {  	s17 =	sadd.s32 s15, s8  }
0x1f: {  	[sflag:s10] =	ssyncadd.s32 $0xFFFFD800;
	s15 =	smov.u32 s16;
	s18 =	sadd.s32 $0xA, s16  }
0x20: {  	[tilespmem:s3], [sflag:$0x1] =	stream.linear.gather [hbm4b:s17+s3], $0x50, $0x38;
	[tilespmem:$0x16880] =	vst v63  }
0x21: {  	p0 =	sne.s32 s16, $0x9BA;
	_ =	swait.ge [sflag:s10], $0x50  }
.Ltmp0:
0x22: {  	[sflag:s10] =	ssyncset.done $0x0;
	(pc) =	sbr.rel @p0 .LBB2_2-.Ltmp0, $4  }
0x23: {  	[sflag:s10] =	ssyncadd.s32 $0xFFFFFFB0  }
0x24: {  	[spmem:s2] =	stream.indirect.scatter.add.f32 [tilespmem:s9], [sflag:$0x1], $0x80, s3, s13, $0xb8;
	[tilespmem:$0x16880] =	vst v63  }
0x25: {  	_ =	swait.ge [sflag:s10], $0x2800  }
0x26: {  	s16 =	smov.u32 s18;
	[sflag:s10] =	ssyncset.done $0x0  }
0x27: {  	s15 =	sadd.s32 s15, s8;
	[sflag:s10] =	ssyncadd.s32 $0xFFFFD800  }
0x28: {  	[tilespmem:s3], [sflag:$0x1] =	stream.linear.gather [hbm4b:s15+s3], $0x50, $0x38;
	[tilespmem:$0x16880] =	vst v63  }
0x29: {  	_ =	swait.ge [sflag:s10], $0x50  }
0x2a: {  	[sflag:s10] =	ssyncset.done $0x0  }
0x2b: {  	[sflag:s10] =	ssyncadd.s32 $0xFFFFFFB0  }
0x2c: {  	[spmem:s2] =	stream.indirect.scatter.add.f32 [tilespmem:s9], [sflag:$0x1], $0x80, s3, s13, $0xb8;
	[tilespmem:$0x16880] =	vst v63  }
0x2d: {  	_ =	swait.ge [sflag:s10], $0x2800  }
0x2e: {  	s14 =	sadd.s32 $0x1, s14;
	[sflag:s10] =	ssyncset.done $0x0  }
0x2f: {  	p0 =	sne.s32 s14, s7;
	[sflag:s10] =	ssyncadd.s32 $0xFFFFD800  }
.Ltmp1:
0x30: {  	[bflag:$0x0] =	sbarrier.arrive $0xFFFF;
	(pc) =	sbr.rel @p0 .LBB2_1-.Ltmp1, $4  }
0x31: {  	[hbm:s6], [sflag:s11] =	dma.local [spmem:s12], $0x2800  }
0x32: {  	_ =	swait.ge [sflag:s10], $0x2800  }
0x33: {  	[sflag:s10] =	ssyncset.done $0x0  }
0x34: {  	[sflag:s10] =	ssyncadd.s32 $0xFFFFD800  }
0x35: {  	_ =	sfence.sel $0x180000  }
0x36: {  	[bflag:$0x0] =	sbarrier.arrive $0xFFFF  }
0x37: {  	p0 =	sne.s32 s0, $0x0;
	_ =	strace $0x90000047  }
0x38: {  	s0 =	sadd.s32 @!p0 $0x100000, s1;
	[bflag:$0x2] =	sbarrier.arrive $0xFFFF  }
0x39: {  	[sflag:s0] =	ssyncadd.tile.s32 @!p0 $0x1;
	_ =	shalt  }
.Lfunc_end2:
_tile_overlayer_lowered:
.L_overlay_start_2:
0x3a: {  	(tag) =	ssettag $0x2  }
0x3b: {  	s0 =	rddreg [dreg:$0x0];
	s2 =	stileid.u32  }
0x3c: {  	s1 =	rddreg [dreg:$0x1];
	p0 =	sne.s32 s2, $0x0  }
0x3d: {  	s3 =	rddreg [dreg:$0x2];
	[bflag:$0x3] =	sbarrier.arrive $0xFFFF;
	s2 =	simm.s32 @!p0 $0x1C01  }
0x3e: {  	[timem:s3], [sflag:s2] =	dma.local @!p0 [hbm:s0], s1  }
0x3f: {  	s0 =	simm.s32 @!p0 $0x1  }
0x40: {  	_ =	swait.ge @!p0 [sflag:s0], s1  }
0x41: {  	s1 =	ssub.s32 @!p0 $0x0, s1;
	[sflag:s0] =	ssyncset.done @!p0 $0x0  }
0x42: {  	[sflag:s0] =	ssyncadd.s32 @!p0 s1  }
0x43: {  	[bflag:$0x3] =	sbarrier.arrive $0xFFFF  }
0x44: {  	_ =	shalt  }

// kernel: kernel.15.cloned.1.call-start
scs
__scs_entry_jumppad:
0x0: {  	(pc) =	sbr.rel $0x88, $3  }
0x1: {  	(tag) =	ssettag $0x0;
	lr =	simm.s32 $0x1  }
0x2: {  	[smem:$0x3F8F] =	sst lr;
	_ =	strace $0xD0000000  }
0x3: {  	_ = 	snop  }
0x4: {  	_ = 	snop  }
0x5: {  	_ = 	snop  }
0x6: {  	_ = 	snop  }
0x7: {  	_ = 	snop  }
__scs_overlays_trampoline_lowered:
0x8: {  	[smem:$0x3F9E] =	sst s0  }
0x9: {  	[smem:$0x3F9F] =	sst s1  }
0xa: {  	[smem:$0x3FA0] =	sst s2  }
0xb: {  	[smem:$0x3FA1] =	sst s3  }
0xc: {  	[smem:$0x3FA2] =	sst s4  }
0xd: {  	[smem:$0x3FA3] =	sst s5  }
0xe: {  	[smem:$0x3FA4] =	sst s6  }
0xf: {  	[smem:$0x3FA5] =	sst s7  }
0x10: {  	[smem:$0x3FA6] =	sst s8  }
0x11: {  	[smem:$0x3FA7] =	sst s9;
	s0 =	simm.s32 @!p0 $0x0  }
0x12: {  	s1 =	sld [smem:$0x3F8D];
	s0 =	simm.s32 @p0 $0x1  }
0x13: {  	[smem:$0x3FA8] =	sst s0;
	s0 =	simm.s32 @!p1 $0x0  }
0x14: {  	s2 =	sld [smem:$0x3F8C];
	s0 =	simm.s32 @p1 $0x1  }
0x15: {  	[smem:$0x3FA9] =	sst s0;
	s0 =	simm.s32 @!p2 $0x0  }
0x16: {  	s3 =	sld [smem:$0x3FDB];
	s0 =	simm.s32 @p2 $0x1  }
0x17: {  	s4 =	simm.s32 $0x1BF5;
	[smem:$0x3FAB] =	sst s0  }
0x18: {  	s0 =	sld [smem:$0x3F8E];
	_ =	swait.ge [sflag:s4], $0x0  }
0x19: {  	s7 =	sld [smem:$0x3F8F]  }
0x1a: {  	s8 =	sadd.s32 $0xFFFFE003, lr  }
0x1b: {  	s9 =	sadd.s32 $0xFFFFFEF7, lr;
	s5 =	simm.s32 $0xFFFFFFFF;
	p2 =	slt.u32 s8, $0xFFFFF086  }
0x1c: {  	p1 =	slt.u32 s9, $0xF7A;
	s5 =	simm.s32 @!p2 $0x0  }
0x1d: {  	s5 =	simm.s32 @p1 $0x1;
	p0 =	seq.s32 s7, s2  }
0x1e: {  	s7 =	smul.u32 @!p0 $0xF7A, s2;
	p2 =	seq.s32 @!p0 s5, $0x0  }
0x1f: {  	s9 =	smul.u32 $0xF7A, s1;
	s8 =	simm.s32 @!p0 $0x1BF5;
	p2 =	por !p2, p0  }
0x20: {  	[sflag:s8] =	ssyncset.s32 @!p0 $0xFFFFF086;
	s6 =	sadd.s32 @!p0 s3, s7;
	s7 =	simm.s32 @!p0 $0x108  }
0x21: {  	s3 =	sadd.s32 s3, s9;
	s6 =	sadd.s32 @!p0 $0x88, s6;
	s7 =	simm.s32 @p2 $0x1082  }
0x22: {  	[simem:s7], [sflag:s8] =	dma.local @!p0 [hbm:s6], $0xF7A  }
0x23: {  	s9 =	sor.u32 $0xD0000000, s2;
	s6 =	simm.s32 $0x108;
	_ =	swait.ge @!p0 [sflag:s8], $0x0  }
0x24: {  	s3 =	sadd.s32 $0x88, s3;
	s6 =	simm.s32 @!p1 $0x1082;
	[sflag:s4] =	ssyncset.s32 $0xFFFFF086  }
0x25: {  	[simem:s6], [sflag:s4] =	dma.local [hbm:s3], $0xF7A  }
0x26: {  	[smem:$0x3F8F] =	sst s1;
	(tag) =	ssettag s2;
	_ =	strace s9  }
0x27: {  	s1 =	sld [smem:$0x3F9F]  }
0x28: {  	s2 =	sld [smem:$0x3FA0]  }
0x29: {  	s4 =	sld [smem:$0x3FA2]  }
0x2a: {  	p0 =	seq.s32 s5, $0x0;
	s5 =	sld [smem:$0x3FA3]  }
0x2b: {  	s6 =	sld [smem:$0x3FA4]  }
0x2c: {  	s7 =	sld [smem:$0x3FA5]  }
0x2d: {  	s3 =	simm.s32 $0x108;
	s8 =	sld [smem:$0x3FA6]  }
0x2e: {  	s3 =	simm.s32 @!p0 $0x1082;
	s9 =	sld [smem:$0x3FA7]  }
0x2f: {  	lr =	sadd.s32 s0, s3;
	s0 =	sld [smem:$0x3F9E]  }
0x30: {  	s3 =	sld [smem:$0x3FA1]  }
0x31: {  	[smem:$0x3FAA] =	sst s10  }
0x32: {  	s10 =	sld [smem:$0x3FA8];
	_ =	sdelay $0x3  }
0x33: {  	p0 =	seq.s32 s10, $0x1;
	s10 =	sld [smem:$0x3FAA];
	_ =	sdelay $0x3  }
0x34: {  	[smem:$0x3FAA] =	sst s10  }
0x35: {  	s10 =	sld [smem:$0x3FA9];
	_ =	sdelay $0x3  }
0x36: {  	p1 =	seq.s32 s10, $0x1;
	s10 =	sld [smem:$0x3FAA];
	_ =	sdelay $0x3  }
0x37: {  	[smem:$0x3FAA] =	sst s10  }
0x38: {  	s10 =	sld [smem:$0x3FAB]  }
0x39: {  	_ = 	snop;
	(pc) =	sbr.ind lr, $3  }
0x3a: {  	_ = 	snop  }
0x3b: {  	_ = 	snop  }
0x3c: {  	p2 =	seq.s32 s10, $0x1;
	s10 =	sld [smem:$0x3FAA]  }
0x3d: {  	_ =	shalt  }
0x3e: {  	_ =	shalt  }
0x3f: {  	_ =	shalt  }
0x40: {  	_ =	shalt  }
0x41: {  	_ =	shalt  }
0x42: {  	_ =	shalt  }
0x43: {  	_ =	shalt  }
0x44: {  	_ =	shalt  }
0x45: {  	_ =	shalt  }
0x46: {  	_ =	shalt  }
0x47: {  	_ =	shalt  }
0x48: {  	_ =	shalt  }
0x49: {  	_ =	shalt  }
0x4a: {  	_ =	shalt  }
0x4b: {  	_ =	shalt  }
0x4c: {  	_ =	shalt  }
0x4d: {  	_ =	shalt  }
0x4e: {  	_ =	shalt  }
0x4f: {  	_ =	shalt  }
0x50: {  	_ =	shalt  }
0x51: {  	_ =	shalt  }
0x52: {  	_ =	shalt  }
0x53: {  	_ =	shalt  }
0x54: {  	_ =	shalt  }
0x55: {  	_ =	shalt  }
0x56: {  	_ =	shalt  }
0x57: {  	_ =	shalt  }
0x58: {  	_ =	shalt  }
0x59: {  	_ =	shalt  }
0x5a: {  	_ =	shalt  }
0x5b: {  	_ =	shalt  }
0x5c: {  	_ =	shalt  }
0x5d: {  	_ =	shalt  }
0x5e: {  	_ =	shalt  }
0x5f: {  	_ =	shalt  }
0x60: {  	_ =	shalt  }
0x61: {  	_ =	shalt  }
0x62: {  	_ =	shalt  }
0x63: {  	_ =	shalt  }
0x64: {  	_ =	shalt  }
0x65: {  	_ =	shalt  }
0x66: {  	_ =	shalt  }
0x67: {  	_ =	shalt  }
0x68: {  	_ =	shalt  }
0x69: {  	_ =	shalt  }
0x6a: {  	_ =	shalt  }
0x6b: {  	_ =	shalt  }
0x6c: {  	_ =	shalt  }
0x6d: {  	_ =	shalt  }
0x6e: {  	_ =	shalt  }
0x6f: {  	_ =	shalt  }
0x70: {  	_ =	shalt  }
0x71: {  	_ =	shalt  }
0x72: {  	_ =	shalt  }
0x73: {  	_ =	shalt  }
0x74: {  	_ =	shalt  }
0x75: {  	_ =	shalt  }
0x76: {  	_ =	shalt  }
0x77: {  	_ =	shalt  }
0x78: {  	_ =	shalt  }
0x79: {  	_ =	shalt  }
0x7a: {  	_ =	shalt  }
0x7b: {  	_ =	shalt  }
0x7c: {  	_ =	shalt  }
0x7d: {  	_ =	shalt  }
0x7e: {  	_ =	shalt  }
0x7f: {  	_ =	shalt  }
0x80: {  	_ =	shalt  }
0x81: {  	_ =	shalt  }
0x82: {  	_ =	shalt  }
0x83: {  	_ =	shalt  }
0x84: {  	_ =	shalt  }
0x85: {  	_ =	shalt  }
0x86: {  	_ =	shalt  }
0x87: {  	_ =	shalt  }
.Lfunc_end0:
.L_simem_size_0:
called_computation.1_lowered:
.L_overlay_start_0:
0x88: {  	s2 =	sld [smem:$0x3FD9]  }
0x89: {  	s3 =	sld [smem:$0x3FFE];
	_ =	sdelay $0x1  }
0x8a: {  	s1 =	srdreg.scid  }
0x8b: {  	s0 =	sand.u32 $0x1, s1  }
0x8c: {  	s16 =	sshll.u32 s0, $0xA;
	s2 =	sadd.s32 s3, s2  }
0x8d: {  	s2 =	sadd.s32 s2, s16  }
0x8e: {  	[smem:$0x3FB6] =	sst s2  }
0x8f: {  	_ = 	snop  }
0x90: {  	(tm) =	ssettm $0x1  }
0x91: {  	s17 =	sld [smem:$0x3FFB];
	_ =	sdelay $0x3  }
0x92: {  	_ =	strace s17  }
0x93: {  	s2 =	sld [smem:$0x3FFC];
	_ =	sdelay $0x3  }
0x94: {  	_ =	strace s2  }
0x95: {  	s2 =	sld [smem:$0x3FFD];
	_ =	sdelay $0x3  }
0x96: {  	_ =	strace s2  }
0x97: {  	_ =	strace $0x8FFFFFFF  }
0x98: {  	s18 =	sld [smem:$0x3FDB];
	_ =	sdelay $0x1  }
0x99: {  	s19 =	simm.s32 $_scs_section_size  }
0x9a: {  	s4 =	simm.s32 $_size__tile_overlayer_lowered;
	s5 =	simm.s32 $_tile_overlayer_lowered  }
0x9b: {  	s22 =	simm.s32 $0x1BFF;
	s21 =	sshll.u32 s5, $0x1;
	s2 =	sadd.s32 s19, s18  }
0x9c: {  	s6 =	simm.s32 $0x0;
	s20 =	sshll.u32 s4, $0x1;
	s4 =	sadd.s32 s21, s2  }
0x9d: {  	[timem:s6], [sflag:s22] =	dma.local [hbm:s4], s20  }
0x9e: {  	_ =	swait.ge [sflag:s22], s20  }
0x9f: {  	s3 =	ssub.s32 $0x0, s20;
	[sflag:s22] =	ssyncset.done $0x0  }
0xa0: {  	[sflag:s22] =	ssyncadd.s32 s3;
	_ =	sdelay $0x1  }
0xa1: {  	s23 =	simm.s32 $0x1B8B  }
0xa2: {  	_ =	swait.ge [sflag:s23], $0x1  }
0xa3: {  	[sflag:s23] =	ssyncset.done $0x0  }
0xa4: {  	s25 =	simm.s32 $0x1B8E;
	s24 =	sld [smem:$0x3FFE];
	[sflag:s23] =	ssyncadd.s32 $0xFFFFFFFF  }
0xa5: {  	s26 =	simm.s32 $execute0_lowered;
	[smem:$0x3FD2] =	sst s25  }
0xa6: {  	s4 =	sshll.u32 s26, $0x1;
	_ =	strace $0x80000049;
	[dreg:$0x1] =	wrdreg $0xFFFFFFFF  }
0xa7: {  	s28 =	simm.s32 $_size_execute0_lowered;
	s2 =	sadd.s32 s2, s4;
	[dreg:$0x0] =	wrdreg $0x0  }
0xa8: {  	s4 =	sshll.u32 s28, $0x1;
	[dreg:$0x2] =	wrdreg s2  }
0xa9: {  	[dreg:$0x3] =	wrdreg s4  }
0xaa: {  	[dreg:$0x4] =	wrdreg $0xC0  }
0xab: {  	_ =	task [dreg:s6], $0x5FFFF  }
0xac: {  	[dreg:$0x1] =	wrdreg $0xFFFFFFFF  }
0xad: {  	[dreg:$0x0] =	wrdreg $0x60  }
0xae: {  	[dreg:$0x2] =	wrdreg s24  }
0xaf: {  	[dreg:$0x3] =	wrdreg $0x9F800  }
0xb0: {  	[dreg:$0x4] =	wrdreg $0x9  }
0xb1: {  	_ =	task.clear_ibuf [dreg:s6], $0x5FFFF;
	_ =	strace $0x90000049  }
0xb2: {  	s29 =	simm.s32 $0x9;
	_ =	strace $0x8000004B  }
0xb3: {  	_ =	swait.ge [sflag:s29], $0x1  }
0xb4: {  	[sflag:s29] =	ssyncadd.s32 $0xFFFFFFFF  }
0xb5: {  	_ =	strace $0x9000004B  }
0xb6: {  	_ =	sfence  }
0xb7: {  	s30 =	sld [smem:$0x0];
	_ =	sdelay $0x2  }
0xb8: {  	s31 =	sshll.u32 s1, $0xD;
	s1 =	sshrl.u32 s1, $0x2  }
0xb9: {  	s3 =	sand.u32 $0x4000, s31;
	s1 =	sadd.s32 s1, s30  }
0xba: {  	s0 =	sor.u32 s3, s0;
	s1 =	sshll.u32 s1, $0x11  }
0xbb: {  	s0 =	sor.u32 s1, s0  }
0xbc: {  	s0 =	sadd.s32 $0x8F2B, s0  }
0xbd: {  	[sflag:s0] =	ssyncadd.remote.s32 $0x1  }
0xbe: {  	_ =	sfence.sel $0xFFFF  }
0xbf: {  	[dreg:$0x0] =	wrdreg $0xFFFFFFFF;
	(pc) =	sbr.abs _section_cstart, $3  }
0xc0: {  	[dreg:$0x1] =	wrdreg $0xFFFFFFFF  }
0xc1: {  	_ =	task.clear_ibuf [dreg:s6], $0x2FFFF;
	_ =	strace $0x9FFFFFFF  }
0xc2: {  	(tm) =	ssettm $0x7FFFFFFF  }
0xc3: {  	_ =	shalt  }
tec
execute0_lowered:
.L_overlay_start_1:
0x0: {  	(tag) =	ssettag $0x1  }
0x1: {  	s6 =	rddreg [dreg:$0x0]  }
0x2: {  	s2 =	rddreg [dreg:$0x1]  }
0x3: {  	s0 =	srdreg.scid;
	s1 =	rddreg [dreg:$0x2]  }
0x4: {  	s3 =	simm.s32 $0x0;
	s15 =	simm.s32 $0x4F80;
	s16 =	simm.s32 $0x7780  }
0x5: {  	s17 =	simm.s32 $0x4E80;
	s18 =	simm.s32 $0x4F00;
	s5 =	sand.u32 $0x1, s0  }
0x6: {  	s19 =	simm.s32 $0x1;
	s0 =	stileid.u32;
	s4 =	smul.u32 $0x4E200, s5  }
0x7: {  	s20 =	simm.s32 $0x2;
	s21 =	simm.s32 $0x0;
	s7 =	smul.u32 $0x4E20, s0  }
0x8: {  	[smem:$0x7FF] =	sst s3;
	s12 =	sadd.s32 $0x15800, s6;
	s8 =	smul.u32 $0x2800, s0  }
0x9: {  	_ =	strace $0x8000004A;
	s11 =	smul.u32 $0x28000, s5;
	s13 =	ssub.s32 $0x2, s5  }
0xa: {  	s14 =	smul.u32 $0x50000, s0;
	s5 =	sadd.s32 $0x29200, s6;
	s31 =	sshll.u32 s0, $0x6  }
0xb: {  	s26 =	sshrl.u32 s13, $0x1;
	s7 =	sadd.s32 s7, s4;
	s4 =	sadd.s32 $0x2BA00, s6  }
0xc: {  	s8 =	sadd.s32 s8, s11;
	s11 =	ssub.s32 s13, s26;
	s28 =	sshrl.u32 s14, $0x2  }
0xd: {  	s10 =	sshrl.u32 s7, $0x3;
	s8 =	sadd.s32 s8, s6;
	s29 =	sadd.s32 $0x50, s7  }
0xe: {  	s14 =	sadd.s32 s28, s2;
	s9 =	sadd.s32 s10, s6;
	s7 =	sadd.s32 $0xCC000, s8  }
0xf: {  	s30 =	sshrl.u32 s29, $0x3;
	s8 =	smax.u32 s11, $0x1;
	s10 =	sadd.s32 s10, s12  }
0x10: {  	s11 =	simm.s32 $0x3;
	s13 =	sshrl.u32 s14, $0x3;
	s14 =	simm.s32 $0x50  }
0x11: {  	s6 =	sadd.s32 $0x1E00, s9;
	s9 =	sadd.s32 s30, s12;
	s12 =	sor.u32 $0x1C03, s31  }
.LBB2_1:
0x12: {  	[tilespmem:s3], [sflag:$0x3] =	stream.linear.gather [hbm4b:s6+s3], $0x4E20, $0x38;
	[tilespmem:$0x1DF80] =	vst v63  }
0x13: {  	_ =	swait.ge [sflag:s11], $0x4E20  }
0x14: {  	[sflag:s11] =	ssyncset.done $0x0  }
0x15: {  	[sflag:s11] =	ssyncadd.s32 $0xFFFFB1E0  }
0x16: {  	[spmem:s13], [sflag:s12] =	dma.local [hbm:s5], $0x2800  }
0x17: {  	_ =	swait.ge [sflag:s11], $0x2800  }
0x18: {  	[sflag:s11] =	ssyncset.done $0x0  }
0x19: {  	[sflag:s11] =	ssyncadd.s32 $0xFFFFD800  }
0x1a: {  	s22 =	simm.s32 $0x0;
	[bflag:$0x0] =	sbarrier.arrive $0xFFFF  }
0x1b: {  	[tilespmem:s15], [sflag:$0x1] =	stream.indirect.gather [hbm4b:s4+s14], $0x80, s22, s14, $0xb8;
	[tilespmem:$0x1DF80] =	vst v63  }
0x1c: {  	_ = 	snop  }
0x1d: {  	[tilespmem:s16], [sflag:$0x2] =	stream.indirect.gather [hbm4b:s4+s14], $0x80, s14, s14, $0xb8;
	[tilespmem:$0x1DF80] =	vst v63  }
0x1e: {  	s30 =	sadd.s32 $0x0, s10  }
0x1f: {  	[tilespmem:s17], [sflag:$0x3] =	stream.linear.gather [hbm4b:s30+s3], $0x50, $0x38;
	[tilespmem:$0x1DF80] =	vst v63  }
0x20: {  	_ =	swait.ge [sflag:s11], $0x50  }
0x21: {  	[sflag:s11] =	ssyncset.done $0x0  }
0x22: {  	s31 =	sadd.s32 $0x0, s9;
	[sflag:s11] =	ssyncadd.s32 $0xFFFFFFB0  }
0x23: {  	[tilespmem:s18], [sflag:$0x3] =	stream.linear.gather [hbm4b:s31+s3], $0x50, $0x38;
	[tilespmem:$0x1DF80] =	vst v63  }
0x24: {  	_ =	swait.ge [sflag:s11], $0x50  }
0x25: {  	[sflag:s11] =	ssyncset.done $0x0  }
0x26: {  	[sflag:s11] =	ssyncadd.s32 $0xFFFFFFB0  }
0x27: {  	_ =	swait.ge [sflag:s19], $0x2800  }
0x28: {  	[sflag:s19] =	ssyncset.done $0x0  }
0x29: {  	[sflag:s19] =	ssyncadd.s32 $0xFFFFD800  }
0x2a: {  	[spmem:s2] =	stream.indirect.scatter.add.f32 [tilespmem:s15], [sflag:$0x3], $0x80, s17, s14, $0xb8;
	[tilespmem:$0x1DF80] =	vst v63  }
0x2b: {  	_ =	swait.ge [sflag:s11], $0x2800  }
0x2c: {  	[sflag:s11] =	ssyncset.done $0x0  }
0x2d: {  	[sflag:s11] =	ssyncadd.s32 $0xFFFFD800  }
0x2e: {  	_ =	swait.ge [sflag:s20], $0x2800  }
0x2f: {  	[sflag:s20] =	ssyncset.done $0x0  }
0x30: {  	[sflag:s20] =	ssyncadd.s32 $0xFFFFD800  }
0x31: {  	[spmem:s2] =	stream.indirect.scatter.add.f32 [tilespmem:s16], [sflag:$0x3], $0x80, s18, s14, $0xb8;
	[tilespmem:$0x1DF80] =	vst v63  }
0x32: {  	s24 =	simm.s32 $0x28;
	_ =	swait.ge [sflag:s11], $0x2800  }
0x33: {  	s23 =	simm.s32 $0xF0;
	s22 =	simm.s32 $0x14;
	[sflag:s11] =	ssyncset.done $0x0  }
.LBB2_2:
0x34: {  	p0 =	sne.s32 s24, $0x9B0;
	s25 =	sadd.s32 $0xFFFFFFB0, s23;
	[sflag:s11] =	ssyncadd.s32 $0xFFFFD800  }
0x35: {  	[tilespmem:s15], [sflag:$0x1] =	stream.indirect.gather [hbm4b:s4+s14], $0x80, s25, s14, $0xb8;
	[tilespmem:$0x1DF80] =	vst v63  }
0x36: {  	s25 =	smov.u32 s24;
	s24 =	sadd.s32 $0x14, s24  }
0x37: {  	[tilespmem:s16], [sflag:$0x2] =	stream.indirect.gather [hbm4b:s4+s14], $0x80, s23, s14, $0xb8;
	[tilespmem:$0x1DF80] =	vst v63  }
0x38: {  	s26 =	sadd.s32 s22, s10  }
0x39: {  	[tilespmem:s17], [sflag:$0x3] =	stream.linear.gather [hbm4b:s26+s3], $0x50, $0x38;
	[tilespmem:$0x1DF80] =	vst v63  }
0x3a: {  	_ =	swait.ge [sflag:s11], $0x50  }
0x3b: {  	[sflag:s11] =	ssyncset.done $0x0  }
0x3c: {  	s26 =	sadd.s32 s22, s9;
	s22 =	smov.u32 s25;
	[sflag:s11] =	ssyncadd.s32 $0xFFFFFFB0  }
0x3d: {  	[tilespmem:s18], [sflag:$0x3] =	stream.linear.gather [hbm4b:s26+s3], $0x50, $0x38;
	[tilespmem:$0x1DF80] =	vst v63  }
0x3e: {  	_ =	swait.ge [sflag:s11], $0x50  }
0x3f: {  	[sflag:s11] =	ssyncset.done $0x0  }
0x40: {  	[sflag:s11] =	ssyncadd.s32 $0xFFFFFFB0  }
0x41: {  	_ =	swait.ge [sflag:s19], $0x2800  }
0x42: {  	[sflag:s19] =	ssyncset.done $0x0  }
0x43: {  	[sflag:s19] =	ssyncadd.s32 $0xFFFFD800  }
0x44: {  	[spmem:s2] =	stream.indirect.scatter.add.f32 [tilespmem:s15], [sflag:$0x3], $0x80, s17, s14, $0xb8;
	[tilespmem:$0x1DF80] =	vst v63  }
0x45: {  	_ =	swait.ge [sflag:s11], $0x2800  }
0x46: {  	[sflag:s11] =	ssyncset.done $0x0  }
0x47: {  	[sflag:s11] =	ssyncadd.s32 $0xFFFFD800  }
0x48: {  	_ =	swait.ge [sflag:s20], $0x2800  }
.Ltmp0:
0x49: {  	[sflag:s20] =	ssyncset.done $0x0;
	(pc) =	sbr.rel @p0 .LBB2_2-.Ltmp0, $4  }
0x4a: {  	[sflag:s20] =	ssyncadd.s32 $0xFFFFD800  }
0x4b: {  	[spmem:s2] =	stream.indirect.scatter.add.f32 [tilespmem:s16], [sflag:$0x3], $0x80, s18, s14, $0xb8;
	[tilespmem:$0x1DF80] =	vst v63  }
0x4c: {  	_ =	swait.ge [sflag:s11], $0x2800  }
0x4d: {  	s23 =	sadd.s32 $0xA0, s23;
	[sflag:s11] =	ssyncset.done $0x0  }
0x4e: {  	s24 =	sadd.s32 $0xFFFFFFB0, s23;
	[sflag:s11] =	ssyncadd.s32 $0xFFFFD800  }
0x4f: {  	[tilespmem:s15], [sflag:$0x1] =	stream.indirect.gather [hbm4b:s4+s14], $0x80, s24, s14, $0xb8;
	[tilespmem:$0x1DF80] =	vst v63  }
0x50: {  	_ = 	snop  }
0x51: {  	[tilespmem:s16], [sflag:$0x2] =	stream.indirect.gather [hbm4b:s4+s14], $0x80, s23, s14, $0xb8;
	[tilespmem:$0x1DF80] =	vst v63  }
0x52: {  	s30 =	sadd.s32 s22, s10  }
0x53: {  	[tilespmem:s17], [sflag:$0x3] =	stream.linear.gather [hbm4b:s30+s3], $0x50, $0x38;
	[tilespmem:$0x1DF80] =	vst v63  }
0x54: {  	_ =	swait.ge [sflag:s11], $0x50  }
0x55: {  	[sflag:s11] =	ssyncset.done $0x0  }
0x56: {  	s31 =	sadd.s32 s22, s9;
	[sflag:s11] =	ssyncadd.s32 $0xFFFFFFB0  }
0x57: {  	[tilespmem:s18], [sflag:$0x3] =	stream.linear.gather [hbm4b:s31+s3], $0x50, $0x38;
	[tilespmem:$0x1DF80] =	vst v63  }
0x58: {  	_ =	swait.ge [sflag:s11], $0x50  }
0x59: {  	[sflag:s11] =	ssyncset.done $0x0  }
0x5a: {  	[sflag:s11] =	ssyncadd.s32 $0xFFFFFFB0  }
0x5b: {  	_ =	swait.ge [sflag:s19], $0x2800  }
0x5c: {  	[sflag:s19] =	ssyncset.done $0x0  }
0x5d: {  	[sflag:s19] =	ssyncadd.s32 $0xFFFFD800  }
0x5e: {  	[spmem:s2] =	stream.indirect.scatter.add.f32 [tilespmem:s15], [sflag:$0x3], $0x80, s17, s14, $0xb8;
	[tilespmem:$0x1DF80] =	vst v63  }
0x5f: {  	_ =	swait.ge [sflag:s11], $0x2800  }
0x60: {  	[sflag:s11] =	ssyncset.done $0x0  }
0x61: {  	[sflag:s11] =	ssyncadd.s32 $0xFFFFD800  }
0x62: {  	_ =	swait.ge [sflag:s20], $0x2800  }
0x63: {  	[sflag:s20] =	ssyncset.done $0x0  }
0x64: {  	[sflag:s20] =	ssyncadd.s32 $0xFFFFD800  }
0x65: {  	[spmem:s2] =	stream.indirect.scatter.add.f32 [tilespmem:s16], [sflag:$0x3], $0x80, s18, s14, $0xb8;
	[tilespmem:$0x1DF80] =	vst v63  }
0x66: {  	_ =	swait.ge [sflag:s11], $0x2800  }
0x67: {  	s21 =	sadd.s32 $0x1, s21;
	[sflag:s11] =	ssyncset.done $0x0  }
0x68: {  	p0 =	sne.s32 s21, s8;
	[sflag:s11] =	ssyncadd.s32 $0xFFFFD800  }
.Ltmp1:
0x69: {  	[bflag:$0x0] =	sbarrier.arrive $0xFFFF;
	(pc) =	sbr.rel @p0 .LBB2_1-.Ltmp1, $4  }
0x6a: {  	[hbm:s7], [sflag:s12] =	dma.local [spmem:s13], $0x2800  }
0x6b: {  	_ =	swait.ge [sflag:s11], $0x2800  }
0x6c: {  	[sflag:s11] =	ssyncset.done $0x0  }
0x6d: {  	[sflag:s11] =	ssyncadd.s32 $0xFFFFD800  }
0x6e: {  	_ =	sfence.sel $0x180000  }
0x6f: {  	[bflag:$0x0] =	sbarrier.arrive $0xFFFF  }
0x70: {  	p0 =	sne.s32 s0, $0x0;
	_ =	strace $0x9000004A  }
0x71: {  	s0 =	sadd.s32 @!p0 $0x100000, s1;
	[bflag:$0x2] =	sbarrier.arrive $0xFFFF  }
0x72: {  	[sflag:s0] =	ssyncadd.tile.s32 @!p0 $0x1;
	_ =	shalt  }
.Lfunc_end2:
_tile_overlayer_lowered:
.L_overlay_start_2:
0x73: {  	(tag) =	ssettag $0x2  }
0x74: {  	s0 =	rddreg [dreg:$0x0];
	s2 =	stileid.u32  }
0x75: {  	s1 =	rddreg [dreg:$0x1];
	p0 =	sne.s32 s2, $0x0  }
0x76: {  	s3 =	rddreg [dreg:$0x2];
	[bflag:$0x3] =	sbarrier.arrive $0xFFFF;
	s2 =	simm.s32 @!p0 $0x1C03  }
0x77: {  	[timem:s3], [sflag:s2] =	dma.local @!p0 [hbm:s0], s1  }
0x78: {  	s0 =	simm.s32 @!p0 $0x3  }
0x79: {  	_ =	swait.ge @!p0 [sflag:s0], s1  }
0x7a: {  	s1 =	ssub.s32 @!p0 $0x0, s1;
	[sflag:s0] =	ssyncset.done @!p0 $0x0  }
0x7b: {  	[sflag:s0] =	ssyncadd.s32 @!p0 s1  }
0x7c: {  	[bflag:$0x3] =	sbarrier.arrive $0xFFFF  }
0x7d: {  	_ =	shalt  }

// kernel: kernel.18.cloned.1.call-start
scs
__scs_entry_jumppad:
0x0: {  	(pc) =	sbr.rel $0x88, $3  }
0x1: {  	(tag) =	ssettag $0x0;
	lr =	simm.s32 $0x1  }
0x2: {  	[smem:$0x3F8F] =	sst lr;
	_ =	strace $0xD0000000  }
0x3: {  	_ = 	snop  }
0x4: {  	_ = 	snop  }
0x5: {  	_ = 	snop  }
0x6: {  	_ = 	snop  }
0x7: {  	_ = 	snop  }
__scs_overlays_trampoline_lowered:
0x8: {  	[smem:$0x3F9E] =	sst s0  }
0x9: {  	[smem:$0x3F9F] =	sst s1  }
0xa: {  	[smem:$0x3FA0] =	sst s2  }
0xb: {  	[smem:$0x3FA1] =	sst s3  }
0xc: {  	[smem:$0x3FA2] =	sst s4  }
0xd: {  	[smem:$0x3FA3] =	sst s5  }
0xe: {  	[smem:$0x3FA4] =	sst s6  }
0xf: {  	[smem:$0x3FA5] =	sst s7  }
0x10: {  	[smem:$0x3FA6] =	sst s8  }
0x11: {  	[smem:$0x3FA7] =	sst s9;
	s0 =	simm.s32 @!p0 $0x0  }
0x12: {  	s1 =	sld [smem:$0x3F8D];
	s0 =	simm.s32 @p0 $0x1  }
0x13: {  	[smem:$0x3FA8] =	sst s0;
	s0 =	simm.s32 @!p1 $0x0  }
0x14: {  	s2 =	sld [smem:$0x3F8C];
	s0 =	simm.s32 @p1 $0x1  }
0x15: {  	[smem:$0x3FA9] =	sst s0;
	s0 =	simm.s32 @!p2 $0x0  }
0x16: {  	s3 =	sld [smem:$0x3FDB];
	s0 =	simm.s32 @p2 $0x1  }
0x17: {  	s4 =	simm.s32 $0x1BF5;
	[smem:$0x3FAB] =	sst s0  }
0x18: {  	s0 =	sld [smem:$0x3F8E];
	_ =	swait.ge [sflag:s4], $0x0  }
0x19: {  	s7 =	sld [smem:$0x3F8F]  }
0x1a: {  	s8 =	sadd.s32 $0xFFFFE003, lr  }
0x1b: {  	s9 =	sadd.s32 $0xFFFFFEF7, lr;
	s5 =	simm.s32 $0xFFFFFFFF;
	p2 =	slt.u32 s8, $0xFFFFF086  }
0x1c: {  	p1 =	slt.u32 s9, $0xF7A;
	s5 =	simm.s32 @!p2 $0x0  }
0x1d: {  	s5 =	simm.s32 @p1 $0x1;
	p0 =	seq.s32 s7, s2  }
0x1e: {  	s7 =	smul.u32 @!p0 $0xF7A, s2;
	p2 =	seq.s32 @!p0 s5, $0x0  }
0x1f: {  	s9 =	smul.u32 $0xF7A, s1;
	s8 =	simm.s32 @!p0 $0x1BF5;
	p2 =	por !p2, p0  }
0x20: {  	[sflag:s8] =	ssyncset.s32 @!p0 $0xFFFFF086;
	s6 =	sadd.s32 @!p0 s3, s7;
	s7 =	simm.s32 @!p0 $0x108  }
0x21: {  	s3 =	sadd.s32 s3, s9;
	s6 =	sadd.s32 @!p0 $0x88, s6;
	s7 =	simm.s32 @p2 $0x1082  }
0x22: {  	[simem:s7], [sflag:s8] =	dma.local @!p0 [hbm:s6], $0xF7A  }
0x23: {  	s9 =	sor.u32 $0xD0000000, s2;
	s6 =	simm.s32 $0x108;
	_ =	swait.ge @!p0 [sflag:s8], $0x0  }
0x24: {  	s3 =	sadd.s32 $0x88, s3;
	s6 =	simm.s32 @!p1 $0x1082;
	[sflag:s4] =	ssyncset.s32 $0xFFFFF086  }
0x25: {  	[simem:s6], [sflag:s4] =	dma.local [hbm:s3], $0xF7A  }
0x26: {  	[smem:$0x3F8F] =	sst s1;
	(tag) =	ssettag s2;
	_ =	strace s9  }
0x27: {  	s1 =	sld [smem:$0x3F9F]  }
0x28: {  	s2 =	sld [smem:$0x3FA0]  }
0x29: {  	s4 =	sld [smem:$0x3FA2]  }
0x2a: {  	p0 =	seq.s32 s5, $0x0;
	s5 =	sld [smem:$0x3FA3]  }
0x2b: {  	s6 =	sld [smem:$0x3FA4]  }
0x2c: {  	s7 =	sld [smem:$0x3FA5]  }
0x2d: {  	s3 =	simm.s32 $0x108;
	s8 =	sld [smem:$0x3FA6]  }
0x2e: {  	s3 =	simm.s32 @!p0 $0x1082;
	s9 =	sld [smem:$0x3FA7]  }
0x2f: {  	lr =	sadd.s32 s0, s3;
	s0 =	sld [smem:$0x3F9E]  }
0x30: {  	s3 =	sld [smem:$0x3FA1]  }
0x31: {  	[smem:$0x3FAA] =	sst s10  }
0x32: {  	s10 =	sld [smem:$0x3FA8];
	_ =	sdelay $0x3  }
0x33: {  	p0 =	seq.s32 s10, $0x1;
	s10 =	sld [smem:$0x3FAA];
	_ =	sdelay $0x3  }
0x34: {  	[smem:$0x3FAA] =	sst s10  }
0x35: {  	s10 =	sld [smem:$0x3FA9];
	_ =	sdelay $0x3  }
0x36: {  	p1 =	seq.s32 s10, $0x1;
	s10 =	sld [smem:$0x3FAA];
	_ =	sdelay $0x3  }
0x37: {  	[smem:$0x3FAA] =	sst s10  }
0x38: {  	s10 =	sld [smem:$0x3FAB]  }
0x39: {  	_ = 	snop;
	(pc) =	sbr.ind lr, $3  }
0x3a: {  	_ = 	snop  }
0x3b: {  	_ = 	snop  }
0x3c: {  	p2 =	seq.s32 s10, $0x1;
	s10 =	sld [smem:$0x3FAA]  }
0x3d: {  	_ =	shalt  }
0x3e: {  	_ =	shalt  }
0x3f: {  	_ =	shalt  }
0x40: {  	_ =	shalt  }
0x41: {  	_ =	shalt  }
0x42: {  	_ =	shalt  }
0x43: {  	_ =	shalt  }
0x44: {  	_ =	shalt  }
0x45: {  	_ =	shalt  }
0x46: {  	_ =	shalt  }
0x47: {  	_ =	shalt  }
0x48: {  	_ =	shalt  }
0x49: {  	_ =	shalt  }
0x4a: {  	_ =	shalt  }
0x4b: {  	_ =	shalt  }
0x4c: {  	_ =	shalt  }
0x4d: {  	_ =	shalt  }
0x4e: {  	_ =	shalt  }
0x4f: {  	_ =	shalt  }
0x50: {  	_ =	shalt  }
0x51: {  	_ =	shalt  }
0x52: {  	_ =	shalt  }
0x53: {  	_ =	shalt  }
0x54: {  	_ =	shalt  }
0x55: {  	_ =	shalt  }
0x56: {  	_ =	shalt  }
0x57: {  	_ =	shalt  }
0x58: {  	_ =	shalt  }
0x59: {  	_ =	shalt  }
0x5a: {  	_ =	shalt  }
0x5b: {  	_ =	shalt  }
0x5c: {  	_ =	shalt  }
0x5d: {  	_ =	shalt  }
0x5e: {  	_ =	shalt  }
0x5f: {  	_ =	shalt  }
0x60: {  	_ =	shalt  }
0x61: {  	_ =	shalt  }
0x62: {  	_ =	shalt  }
0x63: {  	_ =	shalt  }
0x64: {  	_ =	shalt  }
0x65: {  	_ =	shalt  }
0x66: {  	_ =	shalt  }
0x67: {  	_ =	shalt  }
0x68: {  	_ =	shalt  }
0x69: {  	_ =	shalt  }
0x6a: {  	_ =	shalt  }
0x6b: {  	_ =	shalt  }
0x6c: {  	_ =	shalt  }
0x6d: {  	_ =	shalt  }
0x6e: {  	_ =	shalt  }
0x6f: {  	_ =	shalt  }
0x70: {  	_ =	shalt  }
0x71: {  	_ =	shalt  }
0x72: {  	_ =	shalt  }
0x73: {  	_ =	shalt  }
0x74: {  	_ =	shalt  }
0x75: {  	_ =	shalt  }
0x76: {  	_ =	shalt  }
0x77: {  	_ =	shalt  }
0x78: {  	_ =	shalt  }
0x79: {  	_ =	shalt  }
0x7a: {  	_ =	shalt  }
0x7b: {  	_ =	shalt  }
0x7c: {  	_ =	shalt  }
0x7d: {  	_ =	shalt  }
0x7e: {  	_ =	shalt  }
0x7f: {  	_ =	shalt  }
0x80: {  	_ =	shalt  }
0x81: {  	_ =	shalt  }
0x82: {  	_ =	shalt  }
0x83: {  	_ =	shalt  }
0x84: {  	_ =	shalt  }
0x85: {  	_ =	shalt  }
0x86: {  	_ =	shalt  }
0x87: {  	_ =	shalt  }
.Lfunc_end0:
.L_simem_size_0:
called_computation.2_lowered:
.L_overlay_start_0:
0x88: {  	s2 =	sld [smem:$0x3FD9]  }
0x89: {  	s3 =	sld [smem:$0x3FFE];
	_ =	sdelay $0x1  }
0x8a: {  	s1 =	srdreg.scid  }
0x8b: {  	s0 =	sand.u32 $0x1, s1  }
0x8c: {  	s16 =	sshll.u32 s0, $0xA;
	s2 =	sadd.s32 s3, s2  }
0x8d: {  	s2 =	sadd.s32 s2, s16  }
0x8e: {  	[smem:$0x3FB6] =	sst s2  }
0x8f: {  	_ = 	snop  }
0x90: {  	(tm) =	ssettm $0x1  }
0x91: {  	s17 =	sld [smem:$0x3FFB];
	_ =	sdelay $0x3  }
0x92: {  	_ =	strace s17  }
0x93: {  	s2 =	sld [smem:$0x3FFC];
	_ =	sdelay $0x3  }
0x94: {  	_ =	strace s2  }
0x95: {  	s2 =	sld [smem:$0x3FFD];
	_ =	sdelay $0x3  }
0x96: {  	_ =	strace s2  }
0x97: {  	_ =	strace $0x8FFFFFFF  }
0x98: {  	s18 =	sld [smem:$0x3FDB];
	_ =	sdelay $0x1  }
0x99: {  	s19 =	simm.s32 $_scs_section_size  }
0x9a: {  	s4 =	simm.s32 $_size__tile_overlayer_lowered;
	s5 =	simm.s32 $_tile_overlayer_lowered  }
0x9b: {  	s22 =	simm.s32 $0x1BFF;
	s21 =	sshll.u32 s5, $0x1;
	s2 =	sadd.s32 s19, s18  }
0x9c: {  	s6 =	simm.s32 $0x0;
	s20 =	sshll.u32 s4, $0x1;
	s4 =	sadd.s32 s21, s2  }
0x9d: {  	[timem:s6], [sflag:s22] =	dma.local [hbm:s4], s20  }
0x9e: {  	_ =	swait.ge [sflag:s22], s20  }
0x9f: {  	s3 =	ssub.s32 $0x0, s20;
	[sflag:s22] =	ssyncset.done $0x0  }
0xa0: {  	[sflag:s22] =	ssyncadd.s32 s3;
	_ =	sdelay $0x1  }
0xa1: {  	s23 =	simm.s32 $0x1B8B  }
0xa2: {  	_ =	swait.ge [sflag:s23], $0x1  }
0xa3: {  	[sflag:s23] =	ssyncset.done $0x0  }
0xa4: {  	s25 =	simm.s32 $0x1B8E;
	s24 =	sld [smem:$0x3FFE];
	[sflag:s23] =	ssyncadd.s32 $0xFFFFFFFF  }
0xa5: {  	s26 =	simm.s32 $execute0_lowered;
	[smem:$0x3FD2] =	sst s25  }
0xa6: {  	s4 =	sshll.u32 s26, $0x1;
	_ =	strace $0x8000004C;
	[dreg:$0x1] =	wrdreg $0xFFFFFFFF  }
0xa7: {  	s28 =	simm.s32 $_size_execute0_lowered;
	s2 =	sadd.s32 s2, s4;
	[dreg:$0x0] =	wrdreg $0x0  }
0xa8: {  	s4 =	sshll.u32 s28, $0x1;
	[dreg:$0x2] =	wrdreg s2  }
0xa9: {  	[dreg:$0x3] =	wrdreg s4  }
0xaa: {  	[dreg:$0x4] =	wrdreg $0xC0  }
0xab: {  	_ =	task [dreg:s6], $0x5FFFF  }
0xac: {  	[dreg:$0x1] =	wrdreg $0xFFFFFFFF  }
0xad: {  	[dreg:$0x0] =	wrdreg $0x60  }
0xae: {  	[dreg:$0x2] =	wrdreg s24  }
0xaf: {  	[dreg:$0x3] =	wrdreg $0x9F800  }
0xb0: {  	[dreg:$0x4] =	wrdreg $0x9  }
0xb1: {  	_ =	task.clear_ibuf [dreg:s6], $0x5FFFF;
	_ =	strace $0x9000004C  }
0xb2: {  	s29 =	simm.s32 $0x9;
	_ =	strace $0x8000004E  }
0xb3: {  	_ =	swait.ge [sflag:s29], $0x1  }
0xb4: {  	[sflag:s29] =	ssyncadd.s32 $0xFFFFFFFF  }
0xb5: {  	_ =	strace $0x9000004E  }
0xb6: {  	_ =	sfence  }
0xb7: {  	s30 =	sld [smem:$0x0];
	_ =	sdelay $0x2  }
0xb8: {  	s31 =	sshll.u32 s1, $0xD;
	s1 =	sshrl.u32 s1, $0x2  }
0xb9: {  	s3 =	sand.u32 $0x4000, s31;
	s1 =	sadd.s32 s1, s30  }
0xba: {  	s0 =	sor.u32 s3, s0;
	s1 =	sshll.u32 s1, $0x11  }
0xbb: {  	s0 =	sor.u32 s1, s0  }
0xbc: {  	s0 =	sadd.s32 $0x8F2B, s0  }
0xbd: {  	[sflag:s0] =	ssyncadd.remote.s32 $0x1  }
0xbe: {  	_ =	sfence.sel $0xFFFF  }
0xbf: {  	[dreg:$0x0] =	wrdreg $0xFFFFFFFF;
	(pc) =	sbr.abs _section_cstart, $3  }
0xc0: {  	[dreg:$0x1] =	wrdreg $0xFFFFFFFF  }
0xc1: {  	_ =	task.clear_ibuf [dreg:s6], $0x2FFFF;
	_ =	strace $0x9FFFFFFF  }
0xc2: {  	(tm) =	ssettm $0x7FFFFFFF  }
0xc3: {  	_ =	shalt  }
tec
execute0_lowered:
.L_overlay_start_1:
0x0: {  	(tag) =	ssettag $0x1  }
0x1: {  	s6 =	rddreg [dreg:$0x0]  }
0x2: {  	s2 =	rddreg [dreg:$0x1]  }
0x3: {  	s0 =	srdreg.scid;
	s1 =	rddreg [dreg:$0x2]  }
0x4: {  	s3 =	simm.s32 $0x0;
	s15 =	simm.s32 $0x4F80;
	s16 =	simm.s32 $0x7780  }
0x5: {  	s17 =	simm.s32 $0x4E80;
	s18 =	simm.s32 $0x4F00;
	s5 =	sand.u32 $0x1, s0  }
0x6: {  	s19 =	simm.s32 $0x1;
	s0 =	stileid.u32;
	s4 =	smul.u32 $0x4E200, s5  }
0x7: {  	s20 =	simm.s32 $0x2;
	s21 =	simm.s32 $0x0;
	s7 =	smul.u32 $0x4E20, s0  }
0x8: {  	[smem:$0x7FF] =	sst s3;
	s12 =	sadd.s32 $0x15800, s6;
	s8 =	smul.u32 $0x2800, s0  }
0x9: {  	_ =	strace $0x8000004D;
	s11 =	smul.u32 $0x28000, s5;
	s13 =	ssub.s32 $0x2, s5  }
0xa: {  	s14 =	smul.u32 $0x50000, s0;
	s5 =	sadd.s32 $0x29200, s6;
	s31 =	sshll.u32 s0, $0x6  }
0xb: {  	s26 =	sshrl.u32 s13, $0x1;
	s7 =	sadd.s32 s7, s4;
	s4 =	sadd.s32 $0x2BA00, s6  }
0xc: {  	s8 =	sadd.s32 s8, s11;
	s11 =	ssub.s32 s13, s26;
	s28 =	sshrl.u32 s14, $0x2  }
0xd: {  	s10 =	sshrl.u32 s7, $0x3;
	s8 =	sadd.s32 s8, s6;
	s29 =	sadd.s32 $0x50, s7  }
0xe: {  	s14 =	sadd.s32 s28, s2;
	s9 =	sadd.s32 s10, s6;
	s7 =	sadd.s32 $0xCC000, s8  }
0xf: {  	s30 =	sshrl.u32 s29, $0x3;
	s8 =	smax.u32 s11, $0x1;
	s10 =	sadd.s32 s10, s12  }
0x10: {  	s11 =	simm.s32 $0x3;
	s13 =	sshrl.u32 s14, $0x3;
	s14 =	simm.s32 $0x50  }
0x11: {  	s6 =	sadd.s32 $0x1E00, s9;
	s9 =	sadd.s32 s30, s12;
	s12 =	sor.u32 $0x1C03, s31  }
.LBB2_1:
0x12: {  	[tilespmem:s3], [sflag:$0x3] =	stream.linear.gather [hbm4b:s6+s3], $0x4E20, $0x38;
	[tilespmem:$0x1DF80] =	vst v63  }
0x13: {  	_ =	swait.ge [sflag:s11], $0x4E20  }
0x14: {  	[sflag:s11] =	ssyncset.done $0x0  }
0x15: {  	[sflag:s11] =	ssyncadd.s32 $0xFFFFB1E0  }
0x16: {  	[spmem:s13], [sflag:s12] =	dma.local [hbm:s5], $0x2800  }
0x17: {  	_ =	swait.ge [sflag:s11], $0x2800  }
0x18: {  	[sflag:s11] =	ssyncset.done $0x0  }
0x19: {  	[sflag:s11] =	ssyncadd.s32 $0xFFFFD800  }
0x1a: {  	s22 =	simm.s32 $0x0;
	[bflag:$0x0] =	sbarrier.arrive $0xFFFF  }
0x1b: {  	[tilespmem:s15], [sflag:$0x1] =	stream.indirect.gather [hbm4b:s4+s14], $0x80, s22, s14, $0xb8;
	[tilespmem:$0x1DF80] =	vst v63  }
0x1c: {  	_ = 	snop  }
0x1d: {  	[tilespmem:s16], [sflag:$0x2] =	stream.indirect.gather [hbm4b:s4+s14], $0x80, s14, s14, $0xb8;
	[tilespmem:$0x1DF80] =	vst v63  }
0x1e: {  	s30 =	sadd.s32 $0x0, s10  }
0x1f: {  	[tilespmem:s17], [sflag:$0x3] =	stream.linear.gather [hbm4b:s30+s3], $0x50, $0x38;
	[tilespmem:$0x1DF80] =	vst v63  }
0x20: {  	_ =	swait.ge [sflag:s11], $0x50  }
0x21: {  	[sflag:s11] =	ssyncset.done $0x0  }
0x22: {  	s31 =	sadd.s32 $0x0, s9;
	[sflag:s11] =	ssyncadd.s32 $0xFFFFFFB0  }
0x23: {  	[tilespmem:s18], [sflag:$0x3] =	stream.linear.gather [hbm4b:s31+s3], $0x50, $0x38;
	[tilespmem:$0x1DF80] =	vst v63  }
0x24: {  	_ =	swait.ge [sflag:s11], $0x50  }
0x25: {  	[sflag:s11] =	ssyncset.done $0x0  }
0x26: {  	[sflag:s11] =	ssyncadd.s32 $0xFFFFFFB0  }
0x27: {  	_ =	swait.ge [sflag:s19], $0x2800  }
0x28: {  	[sflag:s19] =	ssyncset.done $0x0  }
0x29: {  	[sflag:s19] =	ssyncadd.s32 $0xFFFFD800  }
0x2a: {  	[spmem:s2] =	stream.indirect.scatter.add.f32 [tilespmem:s15], [sflag:$0x3], $0x80, s17, s14, $0xb8;
	[tilespmem:$0x1DF80] =	vst v63  }
0x2b: {  	_ =	swait.ge [sflag:s11], $0x2800  }
0x2c: {  	[sflag:s11] =	ssyncset.done $0x0  }
0x2d: {  	[sflag:s11] =	ssyncadd.s32 $0xFFFFD800  }
0x2e: {  	_ =	swait.ge [sflag:s20], $0x2800  }
0x2f: {  	[sflag:s20] =	ssyncset.done $0x0  }
0x30: {  	[sflag:s20] =	ssyncadd.s32 $0xFFFFD800  }
0x31: {  	[spmem:s2] =	stream.indirect.scatter.add.f32 [tilespmem:s16], [sflag:$0x3], $0x80, s18, s14, $0xb8;
	[tilespmem:$0x1DF80] =	vst v63  }
0x32: {  	s24 =	simm.s32 $0x28;
	_ =	swait.ge [sflag:s11], $0x2800  }
0x33: {  	s23 =	simm.s32 $0xF0;
	s22 =	simm.s32 $0x14;
	[sflag:s11] =	ssyncset.done $0x0  }
.LBB2_2:
0x34: {  	p0 =	sne.s32 s24, $0x9B0;
	s25 =	sadd.s32 $0xFFFFFFB0, s23;
	[sflag:s11] =	ssyncadd.s32 $0xFFFFD800  }
0x35: {  	[tilespmem:s15], [sflag:$0x1] =	stream.indirect.gather [hbm4b:s4+s14], $0x80, s25, s14, $0xb8;
	[tilespmem:$0x1DF80] =	vst v63  }
0x36: {  	s25 =	smov.u32 s24;
	s24 =	sadd.s32 $0x14, s24  }
0x37: {  	[tilespmem:s16], [sflag:$0x2] =	stream.indirect.gather [hbm4b:s4+s14], $0x80, s23, s14, $0xb8;
	[tilespmem:$0x1DF80] =	vst v63  }
0x38: {  	s26 =	sadd.s32 s22, s10  }
0x39: {  	[tilespmem:s17], [sflag:$0x3] =	stream.linear.gather [hbm4b:s26+s3], $0x50, $0x38;
	[tilespmem:$0x1DF80] =	vst v63  }
0x3a: {  	_ =	swait.ge [sflag:s11], $0x50  }
0x3b: {  	[sflag:s11] =	ssyncset.done $0x0  }
0x3c: {  	s26 =	sadd.s32 s22, s9;
	s22 =	smov.u32 s25;
	[sflag:s11] =	ssyncadd.s32 $0xFFFFFFB0  }
0x3d: {  	[tilespmem:s18], [sflag:$0x3] =	stream.linear.gather [hbm4b:s26+s3], $0x50, $0x38;
	[tilespmem:$0x1DF80] =	vst v63  }
0x3e: {  	_ =	swait.ge [sflag:s11], $0x50  }
0x3f: {  	[sflag:s11] =	ssyncset.done $0x0  }
0x40: {  	[sflag:s11] =	ssyncadd.s32 $0xFFFFFFB0  }
0x41: {  	_ =	swait.ge [sflag:s19], $0x2800  }
0x42: {  	[sflag:s19] =	ssyncset.done $0x0  }
0x43: {  	[sflag:s19] =	ssyncadd.s32 $0xFFFFD800  }
0x44: {  	[spmem:s2] =	stream.indirect.scatter.add.f32 [tilespmem:s15], [sflag:$0x3], $0x80, s17, s14, $0xb8;
	[tilespmem:$0x1DF80] =	vst v63  }
0x45: {  	_ =	swait.ge [sflag:s11], $0x2800  }
0x46: {  	[sflag:s11] =	ssyncset.done $0x0  }
0x47: {  	[sflag:s11] =	ssyncadd.s32 $0xFFFFD800  }
0x48: {  	_ =	swait.ge [sflag:s20], $0x2800  }
.Ltmp0:
0x49: {  	[sflag:s20] =	ssyncset.done $0x0;
	(pc) =	sbr.rel @p0 .LBB2_2-.Ltmp0, $4  }
0x4a: {  	[sflag:s20] =	ssyncadd.s32 $0xFFFFD800  }
0x4b: {  	[spmem:s2] =	stream.indirect.scatter.add.f32 [tilespmem:s16], [sflag:$0x3], $0x80, s18, s14, $0xb8;
	[tilespmem:$0x1DF80] =	vst v63  }
0x4c: {  	_ =	swait.ge [sflag:s11], $0x2800  }
0x4d: {  	s23 =	sadd.s32 $0xA0, s23;
	[sflag:s11] =	ssyncset.done $0x0  }
0x4e: {  	s24 =	sadd.s32 $0xFFFFFFB0, s23;
	[sflag:s11] =	ssyncadd.s32 $0xFFFFD800  }
0x4f: {  	[tilespmem:s15], [sflag:$0x1] =	stream.indirect.gather [hbm4b:s4+s14], $0x80, s24, s14, $0xb8;
	[tilespmem:$0x1DF80] =	vst v63  }
0x50: {  	_ = 	snop  }
0x51: {  	[tilespmem:s16], [sflag:$0x2] =	stream.indirect.gather [hbm4b:s4+s14], $0x80, s23, s14, $0xb8;
	[tilespmem:$0x1DF80] =	vst v63  }
0x52: {  	s30 =	sadd.s32 s22, s10  }
0x53: {  	[tilespmem:s17], [sflag:$0x3] =	stream.linear.gather [hbm4b:s30+s3], $0x50, $0x38;
	[tilespmem:$0x1DF80] =	vst v63  }
0x54: {  	_ =	swait.ge [sflag:s11], $0x50  }
0x55: {  	[sflag:s11] =	ssyncset.done $0x0  }
0x56: {  	s31 =	sadd.s32 s22, s9;
	[sflag:s11] =	ssyncadd.s32 $0xFFFFFFB0  }
0x57: {  	[tilespmem:s18], [sflag:$0x3] =	stream.linear.gather [hbm4b:s31+s3], $0x50, $0x38;
	[tilespmem:$0x1DF80] =	vst v63  }
0x58: {  	_ =	swait.ge [sflag:s11], $0x50  }
0x59: {  	[sflag:s11] =	ssyncset.done $0x0  }
0x5a: {  	[sflag:s11] =	ssyncadd.s32 $0xFFFFFFB0  }
0x5b: {  	_ =	swait.ge [sflag:s19], $0x2800  }
0x5c: {  	[sflag:s19] =	ssyncset.done $0x0  }
0x5d: {  	[sflag:s19] =	ssyncadd.s32 $0xFFFFD800  }
0x5e: {  	[spmem:s2] =	stream.indirect.scatter.add.f32 [tilespmem:s15], [sflag:$0x3], $0x80, s17, s14, $0xb8;
	[tilespmem:$0x1DF80] =	vst v63  }
0x5f: {  	_ =	swait.ge [sflag:s11], $0x2800  }
0x60: {  	[sflag:s11] =	ssyncset.done $0x0  }
0x61: {  	[sflag:s11] =	ssyncadd.s32 $0xFFFFD800  }
0x62: {  	_ =	swait.ge [sflag:s20], $0x2800  }
0x63: {  	[sflag:s20] =	ssyncset.done $0x0  }
0x64: {  	[sflag:s20] =	ssyncadd.s32 $0xFFFFD800  }
0x65: {  	[spmem:s2] =	stream.indirect.scatter.add.f32 [tilespmem:s16], [sflag:$0x3], $0x80, s18, s14, $0xb8;
	[tilespmem:$0x1DF80] =	vst v63  }
0x66: {  	_ =	swait.ge [sflag:s11], $0x2800  }
0x67: {  	s21 =	sadd.s32 $0x1, s21;
	[sflag:s11] =	ssyncset.done $0x0  }
0x68: {  	p0 =	sne.s32 s21, s8;
	[sflag:s11] =	ssyncadd.s32 $0xFFFFD800  }
.Ltmp1:
0x69: {  	[bflag:$0x0] =	sbarrier.arrive $0xFFFF;
	(pc) =	sbr.rel @p0 .LBB2_1-.Ltmp1, $4  }
0x6a: {  	[hbm:s7], [sflag:s12] =	dma.local [spmem:s13], $0x2800  }
0x6b: {  	_ =	swait.ge [sflag:s11], $0x2800  }
0x6c: {  	[sflag:s11] =	ssyncset.done $0x0  }
0x6d: {  	[sflag:s11] =	ssyncadd.s32 $0xFFFFD800  }
0x6e: {  	_ =	sfence.sel $0x180000  }
0x6f: {  	[bflag:$0x0] =	sbarrier.arrive $0xFFFF  }
0x70: {  	p0 =	sne.s32 s0, $0x0;
	_ =	strace $0x9000004D  }
0x71: {  	s0 =	sadd.s32 @!p0 $0x100000, s1;
	[bflag:$0x2] =	sbarrier.arrive $0xFFFF  }
0x72: {  	[sflag:s0] =	ssyncadd.tile.s32 @!p0 $0x1;
	_ =	shalt  }
.Lfunc_end2:
_tile_overlayer_lowered:
.L_overlay_start_2:
0x73: {  	(tag) =	ssettag $0x2  }
0x74: {  	s0 =	rddreg [dreg:$0x0];
	s2 =	stileid.u32  }
0x75: {  	s1 =	rddreg [dreg:$0x1];
	p0 =	sne.s32 s2, $0x0  }
0x76: {  	s3 =	rddreg [dreg:$0x2];
	[bflag:$0x3] =	sbarrier.arrive $0xFFFF;
	s2 =	simm.s32 @!p0 $0x1C03  }
0x77: {  	[timem:s3], [sflag:s2] =	dma.local @!p0 [hbm:s0], s1  }
0x78: {  	s0 =	simm.s32 @!p0 $0x3  }
0x79: {  	_ =	swait.ge @!p0 [sflag:s0], s1  }
0x7a: {  	s1 =	ssub.s32 @!p0 $0x0, s1;
	[sflag:s0] =	ssyncset.done @!p0 $0x0  }
0x7b: {  	[sflag:s0] =	ssyncadd.s32 @!p0 s1  }
0x7c: {  	[bflag:$0x3] =	sbarrier.arrive $0xFFFF  }
0x7d: {  	_ =	shalt  }

// kernel: kernel.21.cloned.1.call-start
scs
__scs_entry_jumppad:
0x0: {  	(pc) =	sbr.rel $0x88, $3  }
0x1: {  	(tag) =	ssettag $0x0;
	lr =	simm.s32 $0x1  }
0x2: {  	[smem:$0x3F8F] =	sst lr;
	_ =	strace $0xD0000000  }
0x3: {  	_ = 	snop  }
0x4: {  	_ = 	snop  }
0x5: {  	_ = 	snop  }
0x6: {  	_ = 	snop  }
0x7: {  	_ = 	snop  }
__scs_overlays_trampoline_lowered:
0x8: {  	[smem:$0x3F9E] =	sst s0  }
0x9: {  	[smem:$0x3F9F] =	sst s1  }
0xa: {  	[smem:$0x3FA0] =	sst s2  }
0xb: {  	[smem:$0x3FA1] =	sst s3  }
0xc: {  	[smem:$0x3FA2] =	sst s4  }
0xd: {  	[smem:$0x3FA3] =	sst s5  }
0xe: {  	[smem:$0x3FA4] =	sst s6  }
0xf: {  	[smem:$0x3FA5] =	sst s7  }
0x10: {  	[smem:$0x3FA6] =	sst s8  }
0x11: {  	[smem:$0x3FA7] =	sst s9;
	s0 =	simm.s32 @!p0 $0x0  }
0x12: {  	s1 =	sld [smem:$0x3F8D];
	s0 =	simm.s32 @p0 $0x1  }
0x13: {  	[smem:$0x3FA8] =	sst s0;
	s0 =	simm.s32 @!p1 $0x0  }
0x14: {  	s2 =	sld [smem:$0x3F8C];
	s0 =	simm.s32 @p1 $0x1  }
0x15: {  	[smem:$0x3FA9] =	sst s0;
	s0 =	simm.s32 @!p2 $0x0  }
0x16: {  	s3 =	sld [smem:$0x3FDB];
	s0 =	simm.s32 @p2 $0x1  }
0x17: {  	s4 =	simm.s32 $0x1BF5;
	[smem:$0x3FAB] =	sst s0  }
0x18: {  	s0 =	sld [smem:$0x3F8E];
	_ =	swait.ge [sflag:s4], $0x0  }
0x19: {  	s7 =	sld [smem:$0x3F8F]  }
0x1a: {  	s8 =	sadd.s32 $0xFFFFE003, lr  }
0x1b: {  	s9 =	sadd.s32 $0xFFFFFEF7, lr;
	s5 =	simm.s32 $0xFFFFFFFF;
	p2 =	slt.u32 s8, $0xFFFFF086  }
0x1c: {  	p1 =	slt.u32 s9, $0xF7A;
	s5 =	simm.s32 @!p2 $0x0  }
0x1d: {  	s5 =	simm.s32 @p1 $0x1;
	p0 =	seq.s32 s7, s2  }
0x1e: {  	s7 =	smul.u32 @!p0 $0xF7A, s2;
	p2 =	seq.s32 @!p0 s5, $0x0  }
0x1f: {  	s9 =	smul.u32 $0xF7A, s1;
	s8 =	simm.s32 @!p0 $0x1BF5;
	p2 =	por !p2, p0  }
0x20: {  	[sflag:s8] =	ssyncset.s32 @!p0 $0xFFFFF086;
	s6 =	sadd.s32 @!p0 s3, s7;
	s7 =	simm.s32 @!p0 $0x108  }
0x21: {  	s3 =	sadd.s32 s3, s9;
	s6 =	sadd.s32 @!p0 $0x88, s6;
	s7 =	simm.s32 @p2 $0x1082  }
0x22: {  	[simem:s7], [sflag:s8] =	dma.local @!p0 [hbm:s6], $0xF7A  }
0x23: {  	s9 =	sor.u32 $0xD0000000, s2;
	s6 =	simm.s32 $0x108;
	_ =	swait.ge @!p0 [sflag:s8], $0x0  }
0x24: {  	s3 =	sadd.s32 $0x88, s3;
	s6 =	simm.s32 @!p1 $0x1082;
	[sflag:s4] =	ssyncset.s32 $0xFFFFF086  }
0x25: {  	[simem:s6], [sflag:s4] =	dma.local [hbm:s3], $0xF7A  }
0x26: {  	[smem:$0x3F8F] =	sst s1;
	(tag) =	ssettag s2;
	_ =	strace s9  }
0x27: {  	s1 =	sld [smem:$0x3F9F]  }
0x28: {  	s2 =	sld [smem:$0x3FA0]  }
0x29: {  	s4 =	sld [smem:$0x3FA2]  }
0x2a: {  	p0 =	seq.s32 s5, $0x0;
	s5 =	sld [smem:$0x3FA3]  }
0x2b: {  	s6 =	sld [smem:$0x3FA4]  }
0x2c: {  	s7 =	sld [smem:$0x3FA5]  }
0x2d: {  	s3 =	simm.s32 $0x108;
	s8 =	sld [smem:$0x3FA6]  }
0x2e: {  	s3 =	simm.s32 @!p0 $0x1082;
	s9 =	sld [smem:$0x3FA7]  }
0x2f: {  	lr =	sadd.s32 s0, s3;
	s0 =	sld [smem:$0x3F9E]  }
0x30: {  	s3 =	sld [smem:$0x3FA1]  }
0x31: {  	[smem:$0x3FAA] =	sst s10  }
0x32: {  	s10 =	sld [smem:$0x3FA8];
	_ =	sdelay $0x3  }
0x33: {  	p0 =	seq.s32 s10, $0x1;
	s10 =	sld [smem:$0x3FAA];
	_ =	sdelay $0x3  }
0x34: {  	[smem:$0x3FAA] =	sst s10  }
0x35: {  	s10 =	sld [smem:$0x3FA9];
	_ =	sdelay $0x3  }
0x36: {  	p1 =	seq.s32 s10, $0x1;
	s10 =	sld [smem:$0x3FAA];
	_ =	sdelay $0x3  }
0x37: {  	[smem:$0x3FAA] =	sst s10  }
0x38: {  	s10 =	sld [smem:$0x3FAB]  }
0x39: {  	_ = 	snop;
	(pc) =	sbr.ind lr, $3  }
0x3a: {  	_ = 	snop  }
0x3b: {  	_ = 	snop  }
0x3c: {  	p2 =	seq.s32 s10, $0x1;
	s10 =	sld [smem:$0x3FAA]  }
0x3d: {  	_ =	shalt  }
0x3e: {  	_ =	shalt  }
0x3f: {  	_ =	shalt  }
0x40: {  	_ =	shalt  }
0x41: {  	_ =	shalt  }
0x42: {  	_ =	shalt  }
0x43: {  	_ =	shalt  }
0x44: {  	_ =	shalt  }
0x45: {  	_ =	shalt  }
0x46: {  	_ =	shalt  }
0x47: {  	_ =	shalt  }
0x48: {  	_ =	shalt  }
0x49: {  	_ =	shalt  }
0x4a: {  	_ =	shalt  }
0x4b: {  	_ =	shalt  }
0x4c: {  	_ =	shalt  }
0x4d: {  	_ =	shalt  }
0x4e: {  	_ =	shalt  }
0x4f: {  	_ =	shalt  }
0x50: {  	_ =	shalt  }
0x51: {  	_ =	shalt  }
0x52: {  	_ =	shalt  }
0x53: {  	_ =	shalt  }
0x54: {  	_ =	shalt  }
0x55: {  	_ =	shalt  }
0x56: {  	_ =	shalt  }
0x57: {  	_ =	shalt  }
0x58: {  	_ =	shalt  }
0x59: {  	_ =	shalt  }
0x5a: {  	_ =	shalt  }
0x5b: {  	_ =	shalt  }
0x5c: {  	_ =	shalt  }
0x5d: {  	_ =	shalt  }
0x5e: {  	_ =	shalt  }
0x5f: {  	_ =	shalt  }
0x60: {  	_ =	shalt  }
0x61: {  	_ =	shalt  }
0x62: {  	_ =	shalt  }
0x63: {  	_ =	shalt  }
0x64: {  	_ =	shalt  }
0x65: {  	_ =	shalt  }
0x66: {  	_ =	shalt  }
0x67: {  	_ =	shalt  }
0x68: {  	_ =	shalt  }
0x69: {  	_ =	shalt  }
0x6a: {  	_ =	shalt  }
0x6b: {  	_ =	shalt  }
0x6c: {  	_ =	shalt  }
0x6d: {  	_ =	shalt  }
0x6e: {  	_ =	shalt  }
0x6f: {  	_ =	shalt  }
0x70: {  	_ =	shalt  }
0x71: {  	_ =	shalt  }
0x72: {  	_ =	shalt  }
0x73: {  	_ =	shalt  }
0x74: {  	_ =	shalt  }
0x75: {  	_ =	shalt  }
0x76: {  	_ =	shalt  }
0x77: {  	_ =	shalt  }
0x78: {  	_ =	shalt  }
0x79: {  	_ =	shalt  }
0x7a: {  	_ =	shalt  }
0x7b: {  	_ =	shalt  }
0x7c: {  	_ =	shalt  }
0x7d: {  	_ =	shalt  }
0x7e: {  	_ =	shalt  }
0x7f: {  	_ =	shalt  }
0x80: {  	_ =	shalt  }
0x81: {  	_ =	shalt  }
0x82: {  	_ =	shalt  }
0x83: {  	_ =	shalt  }
0x84: {  	_ =	shalt  }
0x85: {  	_ =	shalt  }
0x86: {  	_ =	shalt  }
0x87: {  	_ =	shalt  }
.Lfunc_end0:
.L_simem_size_0:
called_computation.3_lowered:
.L_overlay_start_0:
0x88: {  	s2 =	sld [smem:$0x3FD9]  }
0x89: {  	s3 =	sld [smem:$0x3FFE];
	_ =	sdelay $0x1  }
0x8a: {  	s1 =	srdreg.scid  }
0x8b: {  	s0 =	sand.u32 $0x1, s1  }
0x8c: {  	s16 =	sshll.u32 s0, $0xA;
	s2 =	sadd.s32 s3, s2  }
0x8d: {  	s2 =	sadd.s32 s2, s16  }
0x8e: {  	[smem:$0x3FB6] =	sst s2  }
0x8f: {  	_ = 	snop  }
0x90: {  	(tm) =	ssettm $0x1  }
0x91: {  	s17 =	sld [smem:$0x3FFB];
	_ =	sdelay $0x3  }
0x92: {  	_ =	strace s17  }
0x93: {  	s2 =	sld [smem:$0x3FFC];
	_ =	sdelay $0x3  }
0x94: {  	_ =	strace s2  }
0x95: {  	s2 =	sld [smem:$0x3FFD];
	_ =	sdelay $0x3  }
0x96: {  	_ =	strace s2  }
0x97: {  	_ =	strace $0x8FFFFFFF  }
0x98: {  	s18 =	sld [smem:$0x3FDB];
	_ =	sdelay $0x1  }
0x99: {  	s19 =	simm.s32 $_scs_section_size  }
0x9a: {  	s4 =	simm.s32 $_size__tile_overlayer_lowered;
	s5 =	simm.s32 $_tile_overlayer_lowered  }
0x9b: {  	s22 =	simm.s32 $0x1BFF;
	s21 =	sshll.u32 s5, $0x1;
	s2 =	sadd.s32 s19, s18  }
0x9c: {  	s6 =	simm.s32 $0x0;
	s20 =	sshll.u32 s4, $0x1;
	s4 =	sadd.s32 s21, s2  }
0x9d: {  	[timem:s6], [sflag:s22] =	dma.local [hbm:s4], s20  }
0x9e: {  	_ =	swait.ge [sflag:s22], s20  }
0x9f: {  	s3 =	ssub.s32 $0x0, s20;
	[sflag:s22] =	ssyncset.done $0x0  }
0xa0: {  	[sflag:s22] =	ssyncadd.s32 s3;
	_ =	sdelay $0x1  }
0xa1: {  	s23 =	simm.s32 $0x1B8B  }
0xa2: {  	_ =	swait.ge [sflag:s23], $0x1  }
0xa3: {  	[sflag:s23] =	ssyncset.done $0x0  }
0xa4: {  	s25 =	simm.s32 $0x1B8E;
	s24 =	sld [smem:$0x3FFE];
	[sflag:s23] =	ssyncadd.s32 $0xFFFFFFFF  }
0xa5: {  	s26 =	simm.s32 $execute0_lowered;
	[smem:$0x3FD2] =	sst s25  }
0xa6: {  	s4 =	sshll.u32 s26, $0x1;
	_ =	strace $0x8000004F;
	[dreg:$0x1] =	wrdreg $0xFFFFFFFF  }
0xa7: {  	s28 =	simm.s32 $_size_execute0_lowered;
	s2 =	sadd.s32 s2, s4;
	[dreg:$0x0] =	wrdreg $0x0  }
0xa8: {  	s4 =	sshll.u32 s28, $0x1;
	[dreg:$0x2] =	wrdreg s2  }
0xa9: {  	[dreg:$0x3] =	wrdreg s4  }
0xaa: {  	[dreg:$0x4] =	wrdreg $0xC0  }
0xab: {  	_ =	task [dreg:s6], $0x5FFFF  }
0xac: {  	[dreg:$0x1] =	wrdreg $0xFFFFFFFF  }
0xad: {  	[dreg:$0x0] =	wrdreg $0x60  }
0xae: {  	[dreg:$0x2] =	wrdreg s24  }
0xaf: {  	[dreg:$0x3] =	wrdreg $0x9F800  }
0xb0: {  	[dreg:$0x4] =	wrdreg $0x9  }
0xb1: {  	_ =	task.clear_ibuf [dreg:s6], $0x5FFFF;
	_ =	strace $0x9000004F  }
0xb2: {  	s29 =	simm.s32 $0x9;
	_ =	strace $0x80000051  }
0xb3: {  	_ =	swait.ge [sflag:s29], $0x1  }
0xb4: {  	[sflag:s29] =	ssyncadd.s32 $0xFFFFFFFF  }
0xb5: {  	_ =	strace $0x90000051  }
0xb6: {  	_ =	sfence  }
0xb7: {  	s30 =	sld [smem:$0x0];
	_ =	sdelay $0x2  }
0xb8: {  	s31 =	sshll.u32 s1, $0xD;
	s1 =	sshrl.u32 s1, $0x2  }
0xb9: {  	s3 =	sand.u32 $0x4000, s31;
	s1 =	sadd.s32 s1, s30  }
0xba: {  	s0 =	sor.u32 s3, s0;
	s1 =	sshll.u32 s1, $0x11  }
0xbb: {  	s0 =	sor.u32 s1, s0  }
0xbc: {  	s0 =	sadd.s32 $0x8F2B, s0  }
0xbd: {  	[sflag:s0] =	ssyncadd.remote.s32 $0x1  }
0xbe: {  	_ =	sfence.sel $0xFFFF  }
0xbf: {  	[dreg:$0x0] =	wrdreg $0xFFFFFFFF;
	(pc) =	sbr.abs _section_cstart, $3  }
0xc0: {  	[dreg:$0x1] =	wrdreg $0xFFFFFFFF  }
0xc1: {  	_ =	task.clear_ibuf [dreg:s6], $0x2FFFF;
	_ =	strace $0x9FFFFFFF  }
0xc2: {  	(tm) =	ssettm $0x7FFFFFFF  }
0xc3: {  	_ =	shalt  }
tec
execute0_lowered:
.L_overlay_start_1:
0x0: {  	(tag) =	ssettag $0x1  }
0x1: {  	s6 =	rddreg [dreg:$0x0]  }
0x2: {  	s2 =	rddreg [dreg:$0x1]  }
0x3: {  	s0 =	srdreg.scid;
	s1 =	rddreg [dreg:$0x2]  }
0x4: {  	s3 =	simm.s32 $0x0;
	s15 =	simm.s32 $0x4F80;
	s16 =	simm.s32 $0x7780  }
0x5: {  	s17 =	simm.s32 $0x4E80;
	s18 =	simm.s32 $0x4F00;
	s5 =	sand.u32 $0x1, s0  }
0x6: {  	s19 =	simm.s32 $0x1;
	s0 =	stileid.u32;
	s4 =	smul.u32 $0x4E200, s5  }
0x7: {  	s20 =	simm.s32 $0x2;
	s21 =	simm.s32 $0x0;
	s7 =	smul.u32 $0x4E20, s0  }
0x8: {  	[smem:$0x7FF] =	sst s3;
	s12 =	sadd.s32 $0x15800, s6;
	s8 =	smul.u32 $0x2800, s0  }
0x9: {  	_ =	strace $0x80000050;
	s11 =	smul.u32 $0x28000, s5;
	s13 =	ssub.s32 $0x2, s5  }
0xa: {  	s14 =	smul.u32 $0x50000, s0;
	s5 =	sadd.s32 $0x29200, s6;
	s31 =	sshll.u32 s0, $0x6  }
0xb: {  	s26 =	sshrl.u32 s13, $0x1;
	s7 =	sadd.s32 s7, s4;
	s4 =	sadd.s32 $0x2BA00, s6  }
0xc: {  	s8 =	sadd.s32 s8, s11;
	s11 =	ssub.s32 s13, s26;
	s28 =	sshrl.u32 s14, $0x2  }
0xd: {  	s10 =	sshrl.u32 s7, $0x3;
	s8 =	sadd.s32 s8, s6;
	s29 =	sadd.s32 $0x50, s7  }
0xe: {  	s14 =	sadd.s32 s28, s2;
	s9 =	sadd.s32 s10, s6;
	s7 =	sadd.s32 $0xCC000, s8  }
0xf: {  	s30 =	sshrl.u32 s29, $0x3;
	s8 =	smax.u32 s11, $0x1;
	s10 =	sadd.s32 s10, s12  }
0x10: {  	s11 =	simm.s32 $0x3;
	s13 =	sshrl.u32 s14, $0x3;
	s14 =	simm.s32 $0x50  }
0x11: {  	s6 =	sadd.s32 $0x1E00, s9;
	s9 =	sadd.s32 s30, s12;
	s12 =	sor.u32 $0x1C03, s31  }
.LBB2_1:
0x12: {  	[tilespmem:s3], [sflag:$0x3] =	stream.linear.gather [hbm4b:s6+s3], $0x4E20, $0x38;
	[tilespmem:$0x1DF80] =	vst v63  }
0x13: {  	_ =	swait.ge [sflag:s11], $0x4E20  }
0x14: {  	[sflag:s11] =	ssyncset.done $0x0  }
0x15: {  	[sflag:s11] =	ssyncadd.s32 $0xFFFFB1E0  }
0x16: {  	[spmem:s13], [sflag:s12] =	dma.local [hbm:s5], $0x2800  }
0x17: {  	_ =	swait.ge [sflag:s11], $0x2800  }
0x18: {  	[sflag:s11] =	ssyncset.done $0x0  }
0x19: {  	[sflag:s11] =	ssyncadd.s32 $0xFFFFD800  }
0x1a: {  	s22 =	simm.s32 $0x0;
	[bflag:$0x0] =	sbarrier.arrive $0xFFFF  }
0x1b: {  	[tilespmem:s15], [sflag:$0x1] =	stream.indirect.gather [hbm4b:s4+s14], $0x80, s22, s14, $0xb8;
	[tilespmem:$0x1DF80] =	vst v63  }
0x1c: {  	_ = 	snop  }
0x1d: {  	[tilespmem:s16], [sflag:$0x2] =	stream.indirect.gather [hbm4b:s4+s14], $0x80, s14, s14, $0xb8;
	[tilespmem:$0x1DF80] =	vst v63  }
0x1e: {  	s30 =	sadd.s32 $0x0, s10  }
0x1f: {  	[tilespmem:s17], [sflag:$0x3] =	stream.linear.gather [hbm4b:s30+s3], $0x50, $0x38;
	[tilespmem:$0x1DF80] =	vst v63  }
0x20: {  	_ =	swait.ge [sflag:s11], $0x50  }
0x21: {  	[sflag:s11] =	ssyncset.done $0x0  }
0x22: {  	s31 =	sadd.s32 $0x0, s9;
	[sflag:s11] =	ssyncadd.s32 $0xFFFFFFB0  }
0x23: {  	[tilespmem:s18], [sflag:$0x3] =	stream.linear.gather [hbm4b:s31+s3], $0x50, $0x38;
	[tilespmem:$0x1DF80] =	vst v63  }
0x24: {  	_ =	swait.ge [sflag:s11], $0x50  }
0x25: {  	[sflag:s11] =	ssyncset.done $0x0  }
0x26: {  	[sflag:s11] =	ssyncadd.s32 $0xFFFFFFB0  }
0x27: {  	_ =	swait.ge [sflag:s19], $0x2800  }
0x28: {  	[sflag:s19] =	ssyncset.done $0x0  }
0x29: {  	[sflag:s19] =	ssyncadd.s32 $0xFFFFD800  }
0x2a: {  	[spmem:s2] =	stream.indirect.scatter.add.f32 [tilespmem:s15], [sflag:$0x3], $0x80, s17, s14, $0xb8;
	[tilespmem:$0x1DF80] =	vst v63  }
0x2b: {  	_ =	swait.ge [sflag:s11], $0x2800  }
0x2c: {  	[sflag:s11] =	ssyncset.done $0x0  }
0x2d: {  	[sflag:s11] =	ssyncadd.s32 $0xFFFFD800  }
0x2e: {  	_ =	swait.ge [sflag:s20], $0x2800  }
0x2f: {  	[sflag:s20] =	ssyncset.done $0x0  }
0x30: {  	[sflag:s20] =	ssyncadd.s32 $0xFFFFD800  }
0x31: {  	[spmem:s2] =	stream.indirect.scatter.add.f32 [tilespmem:s16], [sflag:$0x3], $0x80, s18, s14, $0xb8;
	[tilespmem:$0x1DF80] =	vst v63  }
0x32: {  	s24 =	simm.s32 $0x28;
	_ =	swait.ge [sflag:s11], $0x2800  }
0x33: {  	s23 =	simm.s32 $0xF0;
	s22 =	simm.s32 $0x14;
	[sflag:s11] =	ssyncset.done $0x0  }
.LBB2_2:
0x34: {  	p0 =	sne.s32 s24, $0x9B0;
	s25 =	sadd.s32 $0xFFFFFFB0, s23;
	[sflag:s11] =	ssyncadd.s32 $0xFFFFD800  }
0x35: {  	[tilespmem:s15], [sflag:$0x1] =	stream.indirect.gather [hbm4b:s4+s14], $0x80, s25, s14, $0xb8;
	[tilespmem:$0x1DF80] =	vst v63  }
0x36: {  	s25 =	smov.u32 s24;
	s24 =	sadd.s32 $0x14, s24  }
0x37: {  	[tilespmem:s16], [sflag:$0x2] =	stream.indirect.gather [hbm4b:s4+s14], $0x80, s23, s14, $0xb8;
	[tilespmem:$0x1DF80] =	vst v63  }
0x38: {  	s26 =	sadd.s32 s22, s10  }
0x39: {  	[tilespmem:s17], [sflag:$0x3] =	stream.linear.gather [hbm4b:s26+s3], $0x50, $0x38;
	[tilespmem:$0x1DF80] =	vst v63  }
0x3a: {  	_ =	swait.ge [sflag:s11], $0x50  }
0x3b: {  	[sflag:s11] =	ssyncset.done $0x0  }
0x3c: {  	s26 =	sadd.s32 s22, s9;
	s22 =	smov.u32 s25;
	[sflag:s11] =	ssyncadd.s32 $0xFFFFFFB0  }
0x3d: {  	[tilespmem:s18], [sflag:$0x3] =	stream.linear.gather [hbm4b:s26+s3], $0x50, $0x38;
	[tilespmem:$0x1DF80] =	vst v63  }
0x3e: {  	_ =	swait.ge [sflag:s11], $0x50  }
0x3f: {  	[sflag:s11] =	ssyncset.done $0x0  }
0x40: {  	[sflag:s11] =	ssyncadd.s32 $0xFFFFFFB0  }
0x41: {  	_ =	swait.ge [sflag:s19], $0x2800  }
0x42: {  	[sflag:s19] =	ssyncset.done $0x0  }
0x43: {  	[sflag:s19] =	ssyncadd.s32 $0xFFFFD800  }
0x44: {  	[spmem:s2] =	stream.indirect.scatter.add.f32 [tilespmem:s15], [sflag:$0x3], $0x80, s17, s14, $0xb8;
	[tilespmem:$0x1DF80] =	vst v63  }
0x45: {  	_ =	swait.ge [sflag:s11], $0x2800  }
0x46: {  	[sflag:s11] =	ssyncset.done $0x0  }
0x47: {  	[sflag:s11] =	ssyncadd.s32 $0xFFFFD800  }
0x48: {  	_ =	swait.ge [sflag:s20], $0x2800  }
.Ltmp0:
0x49: {  	[sflag:s20] =	ssyncset.done $0x0;
	(pc) =	sbr.rel @p0 .LBB2_2-.Ltmp0, $4  }
0x4a: {  	[sflag:s20] =	ssyncadd.s32 $0xFFFFD800  }
0x4b: {  	[spmem:s2] =	stream.indirect.scatter.add.f32 [tilespmem:s16], [sflag:$0x3], $0x80, s18, s14, $0xb8;
	[tilespmem:$0x1DF80] =	vst v63  }
0x4c: {  	_ =	swait.ge [sflag:s11], $0x2800  }
0x4d: {  	s23 =	sadd.s32 $0xA0, s23;
	[sflag:s11] =	ssyncset.done $0x0  }
0x4e: {  	s24 =	sadd.s32 $0xFFFFFFB0, s23;
	[sflag:s11] =	ssyncadd.s32 $0xFFFFD800  }
0x4f: {  	[tilespmem:s15], [sflag:$0x1] =	stream.indirect.gather [hbm4b:s4+s14], $0x80, s24, s14, $0xb8;
	[tilespmem:$0x1DF80] =	vst v63  }
0x50: {  	_ = 	snop  }
0x51: {  	[tilespmem:s16], [sflag:$0x2] =	stream.indirect.gather [hbm4b:s4+s14], $0x80, s23, s14, $0xb8;
	[tilespmem:$0x1DF80] =	vst v63  }
0x52: {  	s30 =	sadd.s32 s22, s10  }
0x53: {  	[tilespmem:s17], [sflag:$0x3] =	stream.linear.gather [hbm4b:s30+s3], $0x50, $0x38;
	[tilespmem:$0x1DF80] =	vst v63  }
0x54: {  	_ =	swait.ge [sflag:s11], $0x50  }
0x55: {  	[sflag:s11] =	ssyncset.done $0x0  }
0x56: {  	s31 =	sadd.s32 s22, s9;
	[sflag:s11] =	ssyncadd.s32 $0xFFFFFFB0  }
0x57: {  	[tilespmem:s18], [sflag:$0x3] =	stream.linear.gather [hbm4b:s31+s3], $0x50, $0x38;
	[tilespmem:$0x1DF80] =	vst v63  }
0x58: {  	_ =	swait.ge [sflag:s11], $0x50  }
0x59: {  	[sflag:s11] =	ssyncset.done $0x0  }
0x5a: {  	[sflag:s11] =	ssyncadd.s32 $0xFFFFFFB0  }
0x5b: {  	_ =	swait.ge [sflag:s19], $0x2800  }
0x5c: {  	[sflag:s19] =	ssyncset.done $0x0  }
0x5d: {  	[sflag:s19] =	ssyncadd.s32 $0xFFFFD800  }
0x5e: {  	[spmem:s2] =	stream.indirect.scatter.add.f32 [tilespmem:s15], [sflag:$0x3], $0x80, s17, s14, $0xb8;
	[tilespmem:$0x1DF80] =	vst v63  }
0x5f: {  	_ =	swait.ge [sflag:s11], $0x2800  }
0x60: {  	[sflag:s11] =	ssyncset.done $0x0  }
0x61: {  	[sflag:s11] =	ssyncadd.s32 $0xFFFFD800  }
0x62: {  	_ =	swait.ge [sflag:s20], $0x2800  }
0x63: {  	[sflag:s20] =	ssyncset.done $0x0  }
0x64: {  	[sflag:s20] =	ssyncadd.s32 $0xFFFFD800  }
0x65: {  	[spmem:s2] =	stream.indirect.scatter.add.f32 [tilespmem:s16], [sflag:$0x3], $0x80, s18, s14, $0xb8;
	[tilespmem:$0x1DF80] =	vst v63  }
0x66: {  	_ =	swait.ge [sflag:s11], $0x2800  }
0x67: {  	s21 =	sadd.s32 $0x1, s21;
	[sflag:s11] =	ssyncset.done $0x0  }
0x68: {  	p0 =	sne.s32 s21, s8;
	[sflag:s11] =	ssyncadd.s32 $0xFFFFD800  }
.Ltmp1:
0x69: {  	[bflag:$0x0] =	sbarrier.arrive $0xFFFF;
	(pc) =	sbr.rel @p0 .LBB2_1-.Ltmp1, $4  }
0x6a: {  	[hbm:s7], [sflag:s12] =	dma.local [spmem:s13], $0x2800  }
0x6b: {  	_ =	swait.ge [sflag:s11], $0x2800  }
0x6c: {  	[sflag:s11] =	ssyncset.done $0x0  }
0x6d: {  	[sflag:s11] =	ssyncadd.s32 $0xFFFFD800  }
0x6e: {  	_ =	sfence.sel $0x180000  }
0x6f: {  	[bflag:$0x0] =	sbarrier.arrive $0xFFFF  }
0x70: {  	p0 =	sne.s32 s0, $0x0;
	_ =	strace $0x90000050  }
0x71: {  	s0 =	sadd.s32 @!p0 $0x100000, s1;
	[bflag:$0x2] =	sbarrier.arrive $0xFFFF  }
0x72: {  	[sflag:s0] =	ssyncadd.tile.s32 @!p0 $0x1;
	_ =	shalt  }
.Lfunc_end2:
_tile_overlayer_lowered:
.L_overlay_start_2:
0x73: {  	(tag) =	ssettag $0x2  }
0x74: {  	s0 =	rddreg [dreg:$0x0];
	s2 =	stileid.u32  }
0x75: {  	s1 =	rddreg [dreg:$0x1];
	p0 =	sne.s32 s2, $0x0  }
0x76: {  	s3 =	rddreg [dreg:$0x2];
	[bflag:$0x3] =	sbarrier.arrive $0xFFFF;
	s2 =	simm.s32 @!p0 $0x1C03  }
0x77: {  	[timem:s3], [sflag:s2] =	dma.local @!p0 [hbm:s0], s1  }
0x78: {  	s0 =	simm.s32 @!p0 $0x3  }
0x79: {  	_ =	swait.ge @!p0 [sflag:s0], s1  }
0x7a: {  	s1 =	ssub.s32 @!p0 $0x0, s1;
	[sflag:s0] =	ssyncset.done @!p0 $0x0  }
0x7b: {  	[sflag:s0] =	ssyncadd.s32 @!p0 s1  }
0x7c: {  	[bflag:$0x3] =	sbarrier.arrive $0xFFFF  }
0x7d: {  	_ =	shalt  }

</sc_bundles>
